<compile_context>
chip_gen: v7x
topology: tpu7x:2x2x1
jax: 0.10.2.dev20260603
libtpu: 0.0.44.dev20260713+nightly
codegen_flags: <defaults>
</compile_context>

<pallas_src>
import functools

import jax
import jax.numpy as jnp
from jax import lax
from jax.experimental import pallas as pl
from jax.experimental.pallas import tpu as pltpu
from jax.experimental.pallas import tpu_sc as plsc

D = 128
NSUB = 16
NCORE = 2


def _emb_gather(idx_all, emb):
    nt = idx_all.shape[0]
    nw = NCORE * NSUB
    rpw = nt // nw
    nch = rpw // 128

    @functools.partial(
        pl.kernel,
        out_type=jax.ShapeDtypeStruct((nt, D), jnp.float32),
        mesh=plsc.VectorSubcoreMesh(core_axis_name="c", subcore_axis_name="s"),
        scratch_types=[
            pltpu.VMEM((128,), jnp.int32),
            pltpu.VMEM((128, D), jnp.float32),
            pltpu.SemaphoreType.DMA,
        ],
    )
    def k(idx_hbm, emb_hbm, out_hbm, idx_v, rows_v, sem):
        wid = lax.axis_index("s") * NCORE + lax.axis_index("c")
        base = wid * rpw
        for i in range(nch):
            off = base + i * 128
            pltpu.sync_copy(idx_hbm.at[pl.ds(off, 128)], idx_v)
            pltpu.async_copy(emb_hbm.at[idx_v], rows_v, sem).wait()
            pltpu.sync_copy(rows_v, out_hbm.at[pl.ds(off, 128)])

    return k(idx_all, emb)


def _aggregate(h, srcs, dsts, npad):
    nt = h.shape[0]
    e = srcs.shape[0] // NCORE
    epw = e // NSUB
    echunk = 80
    while epw % echunk:
        echunk -= 8
    nch = epw // echunk
    rpw = npad // NSUB

    @functools.partial(
        pl.kernel,
        out_type=jax.ShapeDtypeStruct((nt, D), jnp.float32),
        mesh=plsc.VectorSubcoreMesh(core_axis_name="c", subcore_axis_name="s"),
        scratch_types=[
            pltpu.VMEM_SHARED((npad, D), jnp.float32),
            pltpu.VMEM((echunk,), jnp.int32),
            pltpu.VMEM((echunk,), jnp.int32),
            pltpu.VMEM((echunk, D), jnp.float32),
            pltpu.SemaphoreType.DMA,
        ],
    )
    def k(h_hbm, src_hbm, dst_hbm, out_hbm, acc_sp, si_v, di_v, rows_v, sem):
        c = lax.axis_index("c")
        s = lax.axis_index("s")
        pltpu.sync_copy(h_hbm.at[pl.ds(c * npad + s * rpw, rpw)],
                        acc_sp.at[pl.ds(s * rpw, rpw)])
        plsc.subcore_barrier()
        ebase = c * e + s * epw

        def body(i, carry):
            off = ebase + i * echunk
            pltpu.sync_copy(src_hbm.at[pl.ds(off, echunk)], si_v)
            pltpu.sync_copy(dst_hbm.at[pl.ds(off, echunk)], di_v)
            pltpu.async_copy(h_hbm.at[si_v], rows_v, sem).wait()
            pltpu.sync_copy(rows_v, acc_sp.at[di_v], add=True)
            return carry

        lax.fori_loop(0, nch, body, 0)
        plsc.subcore_barrier()
        pltpu.sync_copy(acc_sp.at[pl.ds(s * rpw, rpw)],
                        out_hbm.at[pl.ds(c * npad + s * rpw, rpw)])

    return k(h, srcs, dsts)


def _gin_mlp(acc, h, W1, b1, W2, b2, eps):
    nt = acc.shape[0]
    br = 1024

    def body(acc_ref, h_ref, W1_ref, b1_ref, W2_ref, b2_ref, eps_ref, out_ref):
        t = acc_ref[...] + eps_ref[0, 0] * h_ref[...]
        t = jnp.maximum(
            jnp.dot(t, W1_ref[...], preferred_element_type=jnp.float32)
            + b1_ref[...], 0.0)
        t = jnp.maximum(
            jnp.dot(t, W2_ref[...], preferred_element_type=jnp.float32)
            + b2_ref[...], 0.0)
        out_ref[...] = t

    return pl.pallas_call(
        body,
        grid=(nt // br,),
        in_specs=[
            pl.BlockSpec((br, D), lambda i: (i, 0)),
            pl.BlockSpec((br, D), lambda i: (i, 0)),
            pl.BlockSpec((D, D), lambda i: (0, 0)),
            pl.BlockSpec((1, D), lambda i: (0, 0)),
            pl.BlockSpec((D, D), lambda i: (0, 0)),
            pl.BlockSpec((1, D), lambda i: (0, 0)),
            pl.BlockSpec(memory_space=pltpu.SMEM),
        ],
        out_specs=pl.BlockSpec((br, D), lambda i: (i, 0)),
        out_shape=jax.ShapeDtypeStruct((nt, D), jnp.float32),
    )(acc, h, W1, b1.reshape(1, D), W2, b2.reshape(1, D), eps.reshape(1, 1))


def _pool_encode(h, batch2, g2, W1, b1, W2, b2):
    nt = h.shape[0]

    def body(h_ref, b_ref, W1_ref, b1_ref, W2_ref, b2_ref, out_ref):
        cols = lax.broadcasted_iota(jnp.int32, (nt, g2), 1)
        oh = (b_ref[...] == cols).astype(jnp.float32)
        sums = lax.dot_general(oh, h_ref[...], (((0,), (0,)), ((), ())),
                               preferred_element_type=jnp.float32)
        ones = jnp.ones((nt, 1), jnp.float32)
        counts = lax.dot_general(oh, ones, (((0,), (0,)), ((), ())),
                                 preferred_element_type=jnp.float32)
        mean = sums / jnp.maximum(counts, 1.0)
        t = jnp.maximum(
            jnp.dot(mean, W1_ref[...], preferred_element_type=jnp.float32)
            + b1_ref[...], 0.0)
        out_ref[...] = (
            jnp.dot(t, W2_ref[...], preferred_element_type=jnp.float32)
            + b2_ref[...])

    return pl.pallas_call(
        body,
        out_shape=jax.ShapeDtypeStruct((g2, D), jnp.float32),
    )(h, batch2, W1, b1.reshape(1, D), W2, b2.reshape(1, D))


def kernel(x, x_edge_index, x_batch, y, y_edge_index, y_batch, emb,
           l0_W1, l0_b1, l0_W2, l0_b2, l0_eps,
           l1_W1, l1_b1, l1_W2, l1_b2, l1_eps,
           enc_W1, enc_b1, enc_W2, enc_b2):
    n = x.shape[0]
    g = 64
    npad = -(-n // 2048) * 2048
    nt = 2 * npad
    pad = jnp.zeros((npad - n,), jnp.int32)
    idx_all = jnp.concatenate([x, pad, y, pad])
    srcs = jnp.concatenate([x_edge_index[0], y_edge_index[0] + npad])
    dsts = jnp.concatenate([x_edge_index[1], y_edge_index[1]])
    bpad = jnp.full((npad - n,), 2 * g, jnp.int32)
    batch2 = jnp.concatenate([x_batch, bpad, y_batch + g, bpad]).reshape(nt, 1)

    h = _emb_gather(idx_all, emb)
    acc = _aggregate(h, srcs, dsts, npad)
    h = _gin_mlp(acc, h, l0_W1, l0_b1, l0_W2, l0_b2, l0_eps)
    acc = _aggregate(h, srcs, dsts, npad)
    h = _gin_mlp(acc, h, l1_W1, l1_b1, l1_W2, l1_b2, l1_eps)
    e = _pool_encode(h, batch2, 2 * g, enc_W1, enc_b1, enc_W2, enc_b2)
    return (e[:g], e[g:])

# --- scband reference (transcript-rebuilt; emitter-appended) ---
"""Pipeline reference for scband-graph-matching-network-52037823758420 (READ-ONLY COPY).

The authoritative reference and input builder live on the scoring server;
editing this copy changes nothing except your own understanding.
"""

import jax, jax.numpy as jnp
import numpy as np

N = 10000
E = 320000
NL = 1024
D = 128
HD = 128
G = 64


def setup_inputs(seed: int = 0) -> dict:
    key = jax.random.key(seed)
    ks = jax.random.split(key, 32)
    inp = {}
    inp['x'] = jax.random.randint(ks[0], (N,), 0, NL, dtype=jnp.int32)
    inp['x_edge_index'] = jax.random.randint(ks[1], (2, E), 0, N, dtype=jnp.int32)
    inp['x_batch'] = jnp.sort(jax.random.randint(ks[2], (N,), 0, G, dtype=jnp.int32))
    inp['y'] = jax.random.randint(ks[3], (N,), 0, NL, dtype=jnp.int32)
    inp['y_edge_index'] = jax.random.randint(ks[4], (2, E), 0, N, dtype=jnp.int32)
    inp['y_batch'] = jnp.sort(jax.random.randint(ks[5], (N,), 0, G, dtype=jnp.int32))
    # parameters
    s = 0.05
    inp['emb'] = jax.random.normal(ks[6], (NL, D), dtype=jnp.float32) * s
    inp['l0_W1'] = jax.random.normal(ks[7], (D, HD), dtype=jnp.float32) * s
    inp['l0_b1'] = jnp.zeros((HD,), dtype=jnp.float32)
    inp['l0_W2'] = jax.random.normal(ks[8], (HD, HD), dtype=jnp.float32) * s
    inp['l0_b2'] = jnp.zeros((HD,), dtype=jnp.float32)
    inp['l0_eps'] = jnp.zeros((), dtype=jnp.float32)
    inp['l1_W1'] = jax.random.normal(ks[9], (HD, HD), dtype=jnp.float32) * s
    inp['l1_b1'] = jnp.zeros((HD,), dtype=jnp.float32)
    inp['l1_W2'] = jax.random.normal(ks[10], (HD, HD), dtype=jnp.float32) * s
    inp['l1_b2'] = jnp.zeros((HD,), dtype=jnp.float32)
    inp['l1_eps'] = jnp.zeros((), dtype=jnp.float32)
    inp['enc_W1'] = jax.random.normal(ks[11], (HD, HD), dtype=jnp.float32) * s
    inp['enc_b1'] = jnp.zeros((HD,), dtype=jnp.float32)
    inp['enc_W2'] = jax.random.normal(ks[12], (HD, HD), dtype=jnp.float32) * s
    inp['enc_b2'] = jnp.zeros((HD,), dtype=jnp.float32)
    return inp


def _gin_layer(h, edge_index, W1, b1, W2, b2, eps):
    src = edge_index[0]
    dst = edge_index[1]
    agg = jnp.zeros_like(h).at[dst].add(h[src])
    out = (1.0 + eps) * h + agg
    out = jax.nn.relu(out @ W1 + b1)
    out = jax.nn.relu(out @ W2 + b2)
    return out


def _mean_pool(h, batch):
    s = jax.ops.segment_sum(h, batch, num_segments=G)
    c = jax.ops.segment_sum(jnp.ones((h.shape[0], 1), dtype=h.dtype), batch, num_segments=G)
    return s / jnp.maximum(c, 1.0)


def reference(x, x_edge_index, x_batch, y, y_edge_index, y_batch, emb,
              l0_W1, l0_b1, l0_W2, l0_b2, l0_eps,
              l1_W1, l1_b1, l1_W2, l1_b2, l1_eps,
              enc_W1, enc_b1, enc_W2, enc_b2):
    hx = emb[x]
    hy = emb[y]
    hx = _gin_layer(hx, x_edge_index, l0_W1, l0_b1, l0_W2, l0_b2, l0_eps)
    hy = _gin_layer(hy, y_edge_index, l0_W1, l0_b1, l0_W2, l0_b2, l0_eps)
    hx = _gin_layer(hx, x_edge_index, l1_W1, l1_b1, l1_W2, l1_b2, l1_eps)
    hy = _gin_layer(hy, y_edge_index, l1_W1, l1_b1, l1_W2, l1_b2, l1_eps)
    px = _mean_pool(hx, x_batch)
    py = _mean_pool(hy, y_batch)
    ex = jax.nn.relu(px @ enc_W1 + enc_b1) @ enc_W2 + enc_b2
    ey = jax.nn.relu(py @ enc_W1 + enc_b1) @ enc_W2 + enc_b2
    return (ex, ey)

if __name__ == "__main__":
    import jax
    _d = setup_inputs()
    print(jax.jit(kernel)(*tuple(_d.values())))

</pallas_src>

<mosaic_0001>
#map = affine_map<(d0, d1) -> (0)>
#map1 = affine_map<(d0, d1) -> (0, 0)>
module attributes {stable_mosaic.version = 14 : i64} {
  func.func @k(%arg0: i32, %arg1: i32, %arg2: memref<20480xi32, #tpu.memory_space<hbm>>, %arg3: memref<1024x128xf32, #tpu.memory_space<hbm>>, %arg4: memref<20480x128xf32, #tpu.memory_space<hbm>>, %arg5: memref<128xi32, #tpu.memory_space<vmem>>, %arg6: memref<128x128xf32, #tpu.memory_space<vmem>>, %arg7: memref<!tpu.dma_semaphore, #tpu.memory_space<semaphore_mem>>) attributes {dimension_semantics = [#tpu.dimension_semantics<core_parallel>, #tpu.dimension_semantics<subcore_parallel>], iteration_bounds = array<i64: 2, 16>, scalar_prefetch = 0 : i64, scratch_operands = 3 : i64, tpu.core_type = #tpu.core_type<sc_vector_subcore>, window_params = [{transform_indices = #map}, {transform_indices = #map1}, {transform_indices = #map1}]} {
    %mul3A = arith.constant 2 : i32
    %mul3A_0 = arith.muli %arg1, %mul3A : i32
    %add3A = arith.addi %mul3A_0, %arg0 : i32
    %mul3A_1 = arith.constant 640 : i32
    %mul3A_2 = arith.muli %add3A, %mul3A_1 : i32
    %add3A_3 = arith.constant 0 : i32
    %add3A_4 = arith.addi %mul3A_2, %add3A_3 : i32
    "tpu.region"() ({
      %run_scoped3A = tpu.sem_alloc : memref<!tpu.dma_semaphore, #tpu.memory_space<semaphore_mem>>
      %dma_start3A_41 = tpu.memref_slice %arg2[%add3A_4] : memref<20480xi32, #tpu.memory_space<hbm>> -> memref<128xi32, #tpu.memory_space<hbm>>
      %dma_start3A_42 = tpu.memref_slice %arg2[%add3A_4] : memref<20480xi32, #tpu.memory_space<hbm>> -> memref<128xi32, #tpu.memory_space<hbm>>
      tpu.enqueue_dma source(%dma_start3A_42 : memref<128xi32, #tpu.memory_space<hbm>>) target(%arg5 : memref<128xi32, #tpu.memory_space<vmem>>) target_semaphore(%run_scoped3A : memref<!tpu.dma_semaphore, #tpu.memory_space<semaphore_mem>>)
      %dma_wait3A_43 = tpu.memref_slice %arg2[%add3A_4] : memref<20480xi32, #tpu.memory_space<hbm>> -> memref<128xi32, #tpu.memory_space<hbm>>
      %dma_wait3A_44 = tpu.memref_slice %arg2[%add3A_4] : memref<20480xi32, #tpu.memory_space<hbm>> -> memref<128xi32, #tpu.memory_space<hbm>>
      tpu.wait_dma2 semaphore(%run_scoped3A : memref<!tpu.dma_semaphore, #tpu.memory_space<semaphore_mem>>) src(%dma_wait3A_44 : memref<128xi32, #tpu.memory_space<hbm>>) dst(%arg5 : memref<128xi32, #tpu.memory_space<vmem>>)
      tpu.yield
    }) : () -> ()
    %dma_start3A = arith.constant 0 : i32
    %dma_start3A_5 = arith.constant 0 : i32
    %dma_start3A_6 = tpu.memref_slice %arg3[%dma_start3A, %dma_start3A_5] : memref<1024x128xf32, #tpu.memory_space<hbm>> -> memref<1024x128xf32, #tpu.memory_space<hbm>>
    tpu.enqueue_indirect_dma source(%dma_start3A_6 : memref<1024x128xf32, #tpu.memory_space<hbm>>) target(%arg6 : memref<128x128xf32, #tpu.memory_space<vmem>>) offsets(%arg5 : memref<128xi32, #tpu.memory_space<vmem>>) semaphore(%arg7 : memref<!tpu.dma_semaphore, #tpu.memory_space<semaphore_mem>>)
    %dma_wait3A = arith.constant 0 : i32
    %dma_wait3A_7 = arith.constant 0 : i32
    %dma_wait3A_8 = tpu.memref_slice %arg3[%dma_wait3A, %dma_wait3A_7] : memref<1024x128xf32, #tpu.memory_space<hbm>> -> memref<1024x128xf32, #tpu.memory_space<hbm>>
    tpu.wait_indirect_dma semaphore(%arg7 : memref<!tpu.dma_semaphore, #tpu.memory_space<semaphore_mem>>) src(%dma_wait3A_8 : memref<1024x128xf32, #tpu.memory_space<hbm>>) dst(%arg6 : memref<128x128xf32, #tpu.memory_space<vmem>>)
    "tpu.region"() ({
      %run_scoped3A = tpu.sem_alloc : memref<!tpu.dma_semaphore, #tpu.memory_space<semaphore_mem>>
      %dma_start3A_41 = arith.constant 0 : i32
      %dma_start3A_42 = tpu.memref_slice %arg4[%add3A_4, %dma_start3A_41] : memref<20480x128xf32, #tpu.memory_space<hbm>> -> memref<128x128xf32, #tpu.memory_space<hbm>>
      %dma_start3A_43 = arith.constant 0 : i32
      %dma_start3A_44 = tpu.memref_slice %arg4[%add3A_4, %dma_start3A_43] : memref<20480x128xf32, #tpu.memory_space<hbm>> -> memref<128x128xf32, #tpu.memory_space<hbm>>
      tpu.enqueue_dma source(%arg6 : memref<128x128xf32, #tpu.memory_space<vmem>>) target(%dma_start3A_44 : memref<128x128xf32, #tpu.memory_space<hbm>>) target_semaphore(%run_scoped3A : memref<!tpu.dma_semaphore, #tpu.memory_space<semaphore_mem>>)
      %dma_wait3A_45 = arith.constant 0 : i32
      %dma_wait3A_46 = tpu.memref_slice %arg4[%add3A_4, %dma_wait3A_45] : memref<20480x128xf32, #tpu.memory_space<hbm>> -> memref<128x128xf32, #tpu.memory_space<hbm>>
      %dma_wait3A_47 = arith.constant 0 : i32
      %dma_wait3A_48 = tpu.memref_slice %arg4[%add3A_4, %dma_wait3A_47] : memref<20480x128xf32, #tpu.memory_space<hbm>> -> memref<128x128xf32, #tpu.memory_space<hbm>>
      tpu.wait_dma2 semaphore(%run_scoped3A : memref<!tpu.dma_semaphore, #tpu.memory_space<semaphore_mem>>) src(%arg6 : memref<128x128xf32, #tpu.memory_space<vmem>>) dst(%dma_wait3A_48 : memref<128x128xf32, #tpu.memory_space<hbm>>)
      tpu.yield
    }) : () -> ()
    %add3A_9 = arith.constant 128 : i32
    %add3A_10 = arith.addi %mul3A_2, %add3A_9 : i32
    "tpu.region"() ({
      %run_scoped3A = tpu.sem_alloc : memref<!tpu.dma_semaphore, #tpu.memory_space<semaphore_mem>>
      %dma_start3A_41 = tpu.memref_slice %arg2[%add3A_10] : memref<20480xi32, #tpu.memory_space<hbm>> -> memref<128xi32, #tpu.memory_space<hbm>>
      %dma_start3A_42 = tpu.memref_slice %arg2[%add3A_10] : memref<20480xi32, #tpu.memory_space<hbm>> -> memref<128xi32, #tpu.memory_space<hbm>>
      tpu.enqueue_dma source(%dma_start3A_42 : memref<128xi32, #tpu.memory_space<hbm>>) target(%arg5 : memref<128xi32, #tpu.memory_space<vmem>>) target_semaphore(%run_scoped3A : memref<!tpu.dma_semaphore, #tpu.memory_space<semaphore_mem>>)
      %dma_wait3A_43 = tpu.memref_slice %arg2[%add3A_10] : memref<20480xi32, #tpu.memory_space<hbm>> -> memref<128xi32, #tpu.memory_space<hbm>>
      %dma_wait3A_44 = tpu.memref_slice %arg2[%add3A_10] : memref<20480xi32, #tpu.memory_space<hbm>> -> memref<128xi32, #tpu.memory_space<hbm>>
      tpu.wait_dma2 semaphore(%run_scoped3A : memref<!tpu.dma_semaphore, #tpu.memory_space<semaphore_mem>>) src(%dma_wait3A_44 : memref<128xi32, #tpu.memory_space<hbm>>) dst(%arg5 : memref<128xi32, #tpu.memory_space<vmem>>)
      tpu.yield
    }) : () -> ()
    %dma_start3A_11 = arith.constant 0 : i32
    %dma_start3A_12 = arith.constant 0 : i32
    %dma_start3A_13 = tpu.memref_slice %arg3[%dma_start3A_11, %dma_start3A_12] : memref<1024x128xf32, #tpu.memory_space<hbm>> -> memref<1024x128xf32, #tpu.memory_space<hbm>>
    tpu.enqueue_indirect_dma source(%dma_start3A_13 : memref<1024x128xf32, #tpu.memory_space<hbm>>) target(%arg6 : memref<128x128xf32, #tpu.memory_space<vmem>>) offsets(%arg5 : memref<128xi32, #tpu.memory_space<vmem>>) semaphore(%arg7 : memref<!tpu.dma_semaphore, #tpu.memory_space<semaphore_mem>>)
    %dma_wait3A_14 = arith.constant 0 : i32
    %dma_wait3A_15 = arith.constant 0 : i32
    %dma_wait3A_16 = tpu.memref_slice %arg3[%dma_wait3A_14, %dma_wait3A_15] : memref<1024x128xf32, #tpu.memory_space<hbm>> -> memref<1024x128xf32, #tpu.memory_space<hbm>>
    tpu.wait_indirect_dma semaphore(%arg7 : memref<!tpu.dma_semaphore, #tpu.memory_space<semaphore_mem>>) src(%dma_wait3A_16 : memref<1024x128xf32, #tpu.memory_space<hbm>>) dst(%arg6 : memref<128x128xf32, #tpu.memory_space<vmem>>)
    "tpu.region"() ({
      %run_scoped3A = tpu.sem_alloc : memref<!tpu.dma_semaphore, #tpu.memory_space<semaphore_mem>>
      %dma_start3A_41 = arith.constant 0 : i32
      %dma_start3A_42 = tpu.memref_slice %arg4[%add3A_10, %dma_start3A_41] : memref<20480x128xf32, #tpu.memory_space<hbm>> -> memref<128x128xf32, #tpu.memory_space<hbm>>
      %dma_start3A_43 = arith.constant 0 : i32
      %dma_start3A_44 = tpu.memref_slice %arg4[%add3A_10, %dma_start3A_43] : memref<20480x128xf32, #tpu.memory_space<hbm>> -> memref<128x128xf32, #tpu.memory_space<hbm>>
      tpu.enqueue_dma source(%arg6 : memref<128x128xf32, #tpu.memory_space<vmem>>) target(%dma_start3A_44 : memref<128x128xf32, #tpu.memory_space<hbm>>) target_semaphore(%run_scoped3A : memref<!tpu.dma_semaphore, #tpu.memory_space<semaphore_mem>>)
      %dma_wait3A_45 = arith.constant 0 : i32
      %dma_wait3A_46 = tpu.memref_slice %arg4[%add3A_10, %dma_wait3A_45] : memref<20480x128xf32, #tpu.memory_space<hbm>> -> memref<128x128xf32, #tpu.memory_space<hbm>>
      %dma_wait3A_47 = arith.constant 0 : i32
      %dma_wait3A_48 = tpu.memref_slice %arg4[%add3A_10, %dma_wait3A_47] : memref<20480x128xf32, #tpu.memory_space<hbm>> -> memref<128x128xf32, #tpu.memory_space<hbm>>
      tpu.wait_dma2 semaphore(%run_scoped3A : memref<!tpu.dma_semaphore, #tpu.memory_space<semaphore_mem>>) src(%arg6 : memref<128x128xf32, #tpu.memory_space<vmem>>) dst(%dma_wait3A_48 : memref<128x128xf32, #tpu.memory_space<hbm>>)
      tpu.yield
    }) : () -> ()
    %add3A_17 = arith.constant 256 : i32
    %add3A_18 = arith.addi %mul3A_2, %add3A_17 : i32
    "tpu.region"() ({
      %run_scoped3A = tpu.sem_alloc : memref<!tpu.dma_semaphore, #tpu.memory_space<semaphore_mem>>
      %dma_start3A_41 = tpu.memref_slice %arg2[%add3A_18] : memref<20480xi32, #tpu.memory_space<hbm>> -> memref<128xi32, #tpu.memory_space<hbm>>
      %dma_start3A_42 = tpu.memref_slice %arg2[%add3A_18] : memref<20480xi32, #tpu.memory_space<hbm>> -> memref<128xi32, #tpu.memory_space<hbm>>
      tpu.enqueue_dma source(%dma_start3A_42 : memref<128xi32, #tpu.memory_space<hbm>>) target(%arg5 : memref<128xi32, #tpu.memory_space<vmem>>) target_semaphore(%run_scoped3A : memref<!tpu.dma_semaphore, #tpu.memory_space<semaphore_mem>>)
      %dma_wait3A_43 = tpu.memref_slice %arg2[%add3A_18] : memref<20480xi32, #tpu.memory_space<hbm>> -> memref<128xi32, #tpu.memory_space<hbm>>
      %dma_wait3A_44 = tpu.memref_slice %arg2[%add3A_18] : memref<20480xi32, #tpu.memory_space<hbm>> -> memref<128xi32, #tpu.memory_space<hbm>>
      tpu.wait_dma2 semaphore(%run_scoped3A : memref<!tpu.dma_semaphore, #tpu.memory_space<semaphore_mem>>) src(%dma_wait3A_44 : memref<128xi32, #tpu.memory_space<hbm>>) dst(%arg5 : memref<128xi32, #tpu.memory_space<vmem>>)
      tpu.yield
    }) : () -> ()
    %dma_start3A_19 = arith.constant 0 : i32
    %dma_start3A_20 = arith.constant 0 : i32
    %dma_start3A_21 = tpu.memref_slice %arg3[%dma_start3A_19, %dma_start3A_20] : memref<1024x128xf32, #tpu.memory_space<hbm>> -> memref<1024x128xf32, #tpu.memory_space<hbm>>
    tpu.enqueue_indirect_dma source(%dma_start3A_21 : memref<1024x128xf32, #tpu.memory_space<hbm>>) target(%arg6 : memref<128x128xf32, #tpu.memory_space<vmem>>) offsets(%arg5 : memref<128xi32, #tpu.memory_space<vmem>>) semaphore(%arg7 : memref<!tpu.dma_semaphore, #tpu.memory_space<semaphore_mem>>)
    %dma_wait3A_22 = arith.constant 0 : i32
    %dma_wait3A_23 = arith.constant 0 : i32
    %dma_wait3A_24 = tpu.memref_slice %arg3[%dma_wait3A_22, %dma_wait3A_23] : memref<1024x128xf32, #tpu.memory_space<hbm>> -> memref<1024x128xf32, #tpu.memory_space<hbm>>
    tpu.wait_indirect_dma semaphore(%arg7 : memref<!tpu.dma_semaphore, #tpu.memory_space<semaphore_mem>>) src(%dma_wait3A_24 : memref<1024x128xf32, #tpu.memory_space<hbm>>) dst(%arg6 : memref<128x128xf32, #tpu.memory_space<vmem>>)
    "tpu.region"() ({
      %run_scoped3A = tpu.sem_alloc : memref<!tpu.dma_semaphore, #tpu.memory_space<semaphore_mem>>
      %dma_start3A_41 = arith.constant 0 : i32
      %dma_start3A_42 = tpu.memref_slice %arg4[%add3A_18, %dma_start3A_41] : memref<20480x128xf32, #tpu.memory_space<hbm>> -> memref<128x128xf32, #tpu.memory_space<hbm>>
      %dma_start3A_43 = arith.constant 0 : i32
      %dma_start3A_44 = tpu.memref_slice %arg4[%add3A_18, %dma_start3A_43] : memref<20480x128xf32, #tpu.memory_space<hbm>> -> memref<128x128xf32, #tpu.memory_space<hbm>>
      tpu.enqueue_dma source(%arg6 : memref<128x128xf32, #tpu.memory_space<vmem>>) target(%dma_start3A_44 : memref<128x128xf32, #tpu.memory_space<hbm>>) target_semaphore(%run_scoped3A : memref<!tpu.dma_semaphore, #tpu.memory_space<semaphore_mem>>)
      %dma_wait3A_45 = arith.constant 0 : i32
      %dma_wait3A_46 = tpu.memref_slice %arg4[%add3A_18, %dma_wait3A_45] : memref<20480x128xf32, #tpu.memory_space<hbm>> -> memref<128x128xf32, #tpu.memory_space<hbm>>
      %dma_wait3A_47 = arith.constant 0 : i32
      %dma_wait3A_48 = tpu.memref_slice %arg4[%add3A_18, %dma_wait3A_47] : memref<20480x128xf32, #tpu.memory_space<hbm>> -> memref<128x128xf32, #tpu.memory_space<hbm>>
      tpu.wait_dma2 semaphore(%run_scoped3A : memref<!tpu.dma_semaphore, #tpu.memory_space<semaphore_mem>>) src(%arg6 : memref<128x128xf32, #tpu.memory_space<vmem>>) dst(%dma_wait3A_48 : memref<128x128xf32, #tpu.memory_space<hbm>>)
      tpu.yield
    }) : () -> ()
    %add3A_25 = arith.constant 384 : i32
    %add3A_26 = arith.addi %mul3A_2, %add3A_25 : i32
    "tpu.region"() ({
      %run_scoped3A = tpu.sem_alloc : memref<!tpu.dma_semaphore, #tpu.memory_space<semaphore_mem>>
      %dma_start3A_41 = tpu.memref_slice %arg2[%add3A_26] : memref<20480xi32, #tpu.memory_space<hbm>> -> memref<128xi32, #tpu.memory_space<hbm>>
      %dma_start3A_42 = tpu.memref_slice %arg2[%add3A_26] : memref<20480xi32, #tpu.memory_space<hbm>> -> memref<128xi32, #tpu.memory_space<hbm>>
      tpu.enqueue_dma source(%dma_start3A_42 : memref<128xi32, #tpu.memory_space<hbm>>) target(%arg5 : memref<128xi32, #tpu.memory_space<vmem>>) target_semaphore(%run_scoped3A : memref<!tpu.dma_semaphore, #tpu.memory_space<semaphore_mem>>)
      %dma_wait3A_43 = tpu.memref_slice %arg2[%add3A_26] : memref<20480xi32, #tpu.memory_space<hbm>> -> memref<128xi32, #tpu.memory_space<hbm>>
      %dma_wait3A_44 = tpu.memref_slice %arg2[%add3A_26] : memref<20480xi32, #tpu.memory_space<hbm>> -> memref<128xi32, #tpu.memory_space<hbm>>
      tpu.wait_dma2 semaphore(%run_scoped3A : memref<!tpu.dma_semaphore, #tpu.memory_space<semaphore_mem>>) src(%dma_wait3A_44 : memref<128xi32, #tpu.memory_space<hbm>>) dst(%arg5 : memref<128xi32, #tpu.memory_space<vmem>>)
      tpu.yield
    }) : () -> ()
    %dma_start3A_27 = arith.constant 0 : i32
    %dma_start3A_28 = arith.constant 0 : i32
    %dma_start3A_29 = tpu.memref_slice %arg3[%dma_start3A_27, %dma_start3A_28] : memref<1024x128xf32, #tpu.memory_space<hbm>> -> memref<1024x128xf32, #tpu.memory_space<hbm>>
    tpu.enqueue_indirect_dma source(%dma_start3A_29 : memref<1024x128xf32, #tpu.memory_space<hbm>>) target(%arg6 : memref<128x128xf32, #tpu.memory_space<vmem>>) offsets(%arg5 : memref<128xi32, #tpu.memory_space<vmem>>) semaphore(%arg7 : memref<!tpu.dma_semaphore, #tpu.memory_space<semaphore_mem>>)
    %dma_wait3A_30 = arith.constant 0 : i32
    %dma_wait3A_31 = arith.constant 0 : i32
    %dma_wait3A_32 = tpu.memref_slice %arg3[%dma_wait3A_30, %dma_wait3A_31] : memref<1024x128xf32, #tpu.memory_space<hbm>> -> memref<1024x128xf32, #tpu.memory_space<hbm>>
    tpu.wait_indirect_dma semaphore(%arg7 : memref<!tpu.dma_semaphore, #tpu.memory_space<semaphore_mem>>) src(%dma_wait3A_32 : memref<1024x128xf32, #tpu.memory_space<hbm>>) dst(%arg6 : memref<128x128xf32, #tpu.memory_space<vmem>>)
    "tpu.region"() ({
      %run_scoped3A = tpu.sem_alloc : memref<!tpu.dma_semaphore, #tpu.memory_space<semaphore_mem>>
      %dma_start3A_41 = arith.constant 0 : i32
      %dma_start3A_42 = tpu.memref_slice %arg4[%add3A_26, %dma_start3A_41] : memref<20480x128xf32, #tpu.memory_space<hbm>> -> memref<128x128xf32, #tpu.memory_space<hbm>>
      %dma_start3A_43 = arith.constant 0 : i32
      %dma_start3A_44 = tpu.memref_slice %arg4[%add3A_26, %dma_start3A_43] : memref<20480x128xf32, #tpu.memory_space<hbm>> -> memref<128x128xf32, #tpu.memory_space<hbm>>
      tpu.enqueue_dma source(%arg6 : memref<128x128xf32, #tpu.memory_space<vmem>>) target(%dma_start3A_44 : memref<128x128xf32, #tpu.memory_space<hbm>>) target_semaphore(%run_scoped3A : memref<!tpu.dma_semaphore, #tpu.memory_space<semaphore_mem>>)
      %dma_wait3A_45 = arith.constant 0 : i32
      %dma_wait3A_46 = tpu.memref_slice %arg4[%add3A_26, %dma_wait3A_45] : memref<20480x128xf32, #tpu.memory_space<hbm>> -> memref<128x128xf32, #tpu.memory_space<hbm>>
      %dma_wait3A_47 = arith.constant 0 : i32
      %dma_wait3A_48 = tpu.memref_slice %arg4[%add3A_26, %dma_wait3A_47] : memref<20480x128xf32, #tpu.memory_space<hbm>> -> memref<128x128xf32, #tpu.memory_space<hbm>>
      tpu.wait_dma2 semaphore(%run_scoped3A : memref<!tpu.dma_semaphore, #tpu.memory_space<semaphore_mem>>) src(%arg6 : memref<128x128xf32, #tpu.memory_space<vmem>>) dst(%dma_wait3A_48 : memref<128x128xf32, #tpu.memory_space<hbm>>)
      tpu.yield
    }) : () -> ()
    %add3A_33 = arith.constant 512 : i32
    %add3A_34 = arith.addi %mul3A_2, %add3A_33 : i32
    "tpu.region"() ({
      %run_scoped3A = tpu.sem_alloc : memref<!tpu.dma_semaphore, #tpu.memory_space<semaphore_mem>>
      %dma_start3A_41 = tpu.memref_slice %arg2[%add3A_34] : memref<20480xi32, #tpu.memory_space<hbm>> -> memref<128xi32, #tpu.memory_space<hbm>>
      %dma_start3A_42 = tpu.memref_slice %arg2[%add3A_34] : memref<20480xi32, #tpu.memory_space<hbm>> -> memref<128xi32, #tpu.memory_space<hbm>>
      tpu.enqueue_dma source(%dma_start3A_42 : memref<128xi32, #tpu.memory_space<hbm>>) target(%arg5 : memref<128xi32, #tpu.memory_space<vmem>>) target_semaphore(%run_scoped3A : memref<!tpu.dma_semaphore, #tpu.memory_space<semaphore_mem>>)
      %dma_wait3A_43 = tpu.memref_slice %arg2[%add3A_34] : memref<20480xi32, #tpu.memory_space<hbm>> -> memref<128xi32, #tpu.memory_space<hbm>>
      %dma_wait3A_44 = tpu.memref_slice %arg2[%add3A_34] : memref<20480xi32, #tpu.memory_space<hbm>> -> memref<128xi32, #tpu.memory_space<hbm>>
      tpu.wait_dma2 semaphore(%run_scoped3A : memref<!tpu.dma_semaphore, #tpu.memory_space<semaphore_mem>>) src(%dma_wait3A_44 : memref<128xi32, #tpu.memory_space<hbm>>) dst(%arg5 : memref<128xi32, #tpu.memory_space<vmem>>)
      tpu.yield
    }) : () -> ()
    %dma_start3A_35 = arith.constant 0 : i32
    %dma_start3A_36 = arith.constant 0 : i32
    %dma_start3A_37 = tpu.memref_slice %arg3[%dma_start3A_35, %dma_start3A_36] : memref<1024x128xf32, #tpu.memory_space<hbm>> -> memref<1024x128xf32, #tpu.memory_space<hbm>>
    tpu.enqueue_indirect_dma source(%dma_start3A_37 : memref<1024x128xf32, #tpu.memory_space<hbm>>) target(%arg6 : memref<128x128xf32, #tpu.memory_space<vmem>>) offsets(%arg5 : memref<128xi32, #tpu.memory_space<vmem>>) semaphore(%arg7 : memref<!tpu.dma_semaphore, #tpu.memory_space<semaphore_mem>>)
    %dma_wait3A_38 = arith.constant 0 : i32
    %dma_wait3A_39 = arith.constant 0 : i32
    %dma_wait3A_40 = tpu.memref_slice %arg3[%dma_wait3A_38, %dma_wait3A_39] : memref<1024x128xf32, #tpu.memory_space<hbm>> -> memref<1024x128xf32, #tpu.memory_space<hbm>>
    tpu.wait_indirect_dma semaphore(%arg7 : memref<!tpu.dma_semaphore, #tpu.memory_space<semaphore_mem>>) src(%dma_wait3A_40 : memref<1024x128xf32, #tpu.memory_space<hbm>>) dst(%arg6 : memref<128x128xf32, #tpu.memory_space<vmem>>)
    "tpu.region"() ({
      %run_scoped3A = tpu.sem_alloc : memref<!tpu.dma_semaphore, #tpu.memory_space<semaphore_mem>>
      %dma_start3A_41 = arith.constant 0 : i32
      %dma_start3A_42 = tpu.memref_slice %arg4[%add3A_34, %dma_start3A_41] : memref<20480x128xf32, #tpu.memory_space<hbm>> -> memref<128x128xf32, #tpu.memory_space<hbm>>
      %dma_start3A_43 = arith.constant 0 : i32
      %dma_start3A_44 = tpu.memref_slice %arg4[%add3A_34, %dma_start3A_43] : memref<20480x128xf32, #tpu.memory_space<hbm>> -> memref<128x128xf32, #tpu.memory_space<hbm>>
      tpu.enqueue_dma source(%arg6 : memref<128x128xf32, #tpu.memory_space<vmem>>) target(%dma_start3A_44 : memref<128x128xf32, #tpu.memory_space<hbm>>) target_semaphore(%run_scoped3A : memref<!tpu.dma_semaphore, #tpu.memory_space<semaphore_mem>>)
      %dma_wait3A_45 = arith.constant 0 : i32
      %dma_wait3A_46 = tpu.memref_slice %arg4[%add3A_34, %dma_wait3A_45] : memref<20480x128xf32, #tpu.memory_space<hbm>> -> memref<128x128xf32, #tpu.memory_space<hbm>>
      %dma_wait3A_47 = arith.constant 0 : i32
      %dma_wait3A_48 = tpu.memref_slice %arg4[%add3A_34, %dma_wait3A_47] : memref<20480x128xf32, #tpu.memory_space<hbm>> -> memref<128x128xf32, #tpu.memory_space<hbm>>
      tpu.wait_dma2 semaphore(%run_scoped3A : memref<!tpu.dma_semaphore, #tpu.memory_space<semaphore_mem>>) src(%arg6 : memref<128x128xf32, #tpu.memory_space<vmem>>) dst(%dma_wait3A_48 : memref<128x128xf32, #tpu.memory_space<hbm>>)
      tpu.yield
    }) : () -> ()
    return
  }
}

#map = affine_map<(d0, d1) -> (0, 0)>
#map1 = affine_map<(d0, d1) -> (0)>
module attributes {stable_mosaic.version = 14 : i64} {
  func.func @k(%arg0: i32, %arg1: i32, %arg2: memref<20480x128xf32, #tpu.memory_space<hbm>>, %arg3: memref<640000xi32, #tpu.memory_space<hbm>>, %arg4: memref<640000xi32, #tpu.memory_space<hbm>>, %arg5: memref<20480x128xf32, #tpu.memory_space<hbm>>, %arg6: memref<10240x128xf32, #tpu.memory_space<vmem_shared>>, %arg7: memref<80xi32, #tpu.memory_space<vmem>>, %arg8: memref<80xi32, #tpu.memory_space<vmem>>, %arg9: memref<80x128xf32, #tpu.memory_space<vmem>>, %arg10: memref<!tpu.dma_semaphore, #tpu.memory_space<semaphore_mem>>) attributes {dimension_semantics = [#tpu.dimension_semantics<core_parallel>, #tpu.dimension_semantics<subcore_parallel>], iteration_bounds = array<i64: 2, 16>, scalar_prefetch = 0 : i64, scratch_operands = 5 : i64, tpu.core_type = #tpu.core_type<sc_vector_subcore>, window_params = [{transform_indices = #map}, {transform_indices = #map1}, {transform_indices = #map1}, {transform_indices = #map}]} {
    %mul3A = arith.constant 10240 : i32
    %mul3A_0 = arith.muli %arg0, %mul3A : i32
    %mul3A_1 = arith.constant 640 : i32
    %mul3A_2 = arith.muli %arg1, %mul3A_1 : i32
    %add3A = arith.addi %mul3A_0, %mul3A_2 : i32
    %mul3A_3 = arith.constant 640 : i32
    %mul3A_4 = arith.muli %arg1, %mul3A_3 : i32
    "tpu.region"() ({
      %run_scoped3A = tpu.sem_alloc : memref<!tpu.dma_semaphore, #tpu.memory_space<semaphore_mem>>
      %dma_start3A = arith.constant 0 : i32
      %dma_start3A_23 = tpu.memref_slice %arg6[%mul3A_4, %dma_start3A] : memref<10240x128xf32, #tpu.memory_space<vmem_shared>> -> memref<640x128xf32, #tpu.memory_space<vmem_shared>>
      %dma_start3A_24 = arith.constant 0 : i32
      %dma_start3A_25 = tpu.memref_slice %arg2[%add3A, %dma_start3A_24] : memref<20480x128xf32, #tpu.memory_space<hbm>> -> memref<640x128xf32, #tpu.memory_space<hbm>>
      tpu.enqueue_dma source(%dma_start3A_25 : memref<640x128xf32, #tpu.memory_space<hbm>>) target(%dma_start3A_23 : memref<640x128xf32, #tpu.memory_space<vmem_shared>>) target_semaphore(%run_scoped3A : memref<!tpu.dma_semaphore, #tpu.memory_space<semaphore_mem>>)
      %dma_wait3A = arith.constant 0 : i32
      %dma_wait3A_26 = tpu.memref_slice %arg6[%mul3A_4, %dma_wait3A] : memref<10240x128xf32, #tpu.memory_space<vmem_shared>> -> memref<640x128xf32, #tpu.memory_space<vmem_shared>>
      %dma_wait3A_27 = arith.constant 0 : i32
      %dma_wait3A_28 = tpu.memref_slice %arg2[%add3A, %dma_wait3A_27] : memref<20480x128xf32, #tpu.memory_space<hbm>> -> memref<640x128xf32, #tpu.memory_space<hbm>>
      tpu.wait_dma2 semaphore(%run_scoped3A : memref<!tpu.dma_semaphore, #tpu.memory_space<semaphore_mem>>) src(%dma_wait3A_28 : memref<640x128xf32, #tpu.memory_space<hbm>>) dst(%dma_wait3A_26 : memref<640x128xf32, #tpu.memory_space<vmem_shared>>)
      tpu.yield
    }) : () -> ()
    %barrier3A = arith.constant 0 : index
    tpu.barrier barrier_id(%barrier3A)
    %mul3A_5 = arith.constant 320000 : i32
    %mul3A_6 = arith.muli %arg0, %mul3A_5 : i32
    %mul3A_7 = arith.constant 20000 : i32
    %mul3A_8 = arith.muli %arg1, %mul3A_7 : i32
    %add3A_9 = arith.addi %mul3A_6, %mul3A_8 : i32
    %scan3A = arith.constant 0 : i32
    %scan3A_10 = arith.constant 0 : i32
    %scan3A_11 = arith.constant 250 : i32
    %scan3A_12 = arith.addi %scan3A_10, %scan3A_11 : i32
    %scan3A_13 = arith.constant 1 : i32
    scf.for %scan3A_23 = %scan3A_10 to %scan3A_12 step %scan3A_13  : i32 {
      %mul3A_24 = arith.constant 80 : i32
      %mul3A_25 = arith.muli %scan3A_23, %mul3A_24 : i32
      %add3A_26 = arith.addi %add3A_9, %mul3A_25 : i32
      "tpu.region"() ({
        %run_scoped3A = tpu.sem_alloc : memref<!tpu.dma_semaphore, #tpu.memory_space<semaphore_mem>>
        %dma_start3A_31 = tpu.memref_slice %arg3[%add3A_26] : memref<640000xi32, #tpu.memory_space<hbm>> -> memref<80xi32, #tpu.memory_space<hbm>>
        %dma_start3A_32 = tpu.memref_slice %arg3[%add3A_26] : memref<640000xi32, #tpu.memory_space<hbm>> -> memref<80xi32, #tpu.memory_space<hbm>>
        tpu.enqueue_dma source(%dma_start3A_32 : memref<80xi32, #tpu.memory_space<hbm>>) target(%arg7 : memref<80xi32, #tpu.memory_space<vmem>>) target_semaphore(%run_scoped3A : memref<!tpu.dma_semaphore, #tpu.memory_space<semaphore_mem>>)
        %dma_wait3A_33 = tpu.memref_slice %arg3[%add3A_26] : memref<640000xi32, #tpu.memory_space<hbm>> -> memref<80xi32, #tpu.memory_space<hbm>>
        %dma_wait3A_34 = tpu.memref_slice %arg3[%add3A_26] : memref<640000xi32, #tpu.memory_space<hbm>> -> memref<80xi32, #tpu.memory_space<hbm>>
        tpu.wait_dma2 semaphore(%run_scoped3A : memref<!tpu.dma_semaphore, #tpu.memory_space<semaphore_mem>>) src(%dma_wait3A_34 : memref<80xi32, #tpu.memory_space<hbm>>) dst(%arg7 : memref<80xi32, #tpu.memory_space<vmem>>)
        tpu.yield
      }) : () -> ()
      "tpu.region"() ({
        %run_scoped3A = tpu.sem_alloc : memref<!tpu.dma_semaphore, #tpu.memory_space<semaphore_mem>>
        %dma_start3A_31 = tpu.memref_slice %arg4[%add3A_26] : memref<640000xi32, #tpu.memory_space<hbm>> -> memref<80xi32, #tpu.memory_space<hbm>>
        %dma_start3A_32 = tpu.memref_slice %arg4[%add3A_26] : memref<640000xi32, #tpu.memory_space<hbm>> -> memref<80xi32, #tpu.memory_space<hbm>>
        tpu.enqueue_dma source(%dma_start3A_32 : memref<80xi32, #tpu.memory_space<hbm>>) target(%arg8 : memref<80xi32, #tpu.memory_space<vmem>>) target_semaphore(%run_scoped3A : memref<!tpu.dma_semaphore, #tpu.memory_space<semaphore_mem>>)
        %dma_wait3A_33 = tpu.memref_slice %arg4[%add3A_26] : memref<640000xi32, #tpu.memory_space<hbm>> -> memref<80xi32, #tpu.memory_space<hbm>>
        %dma_wait3A_34 = tpu.memref_slice %arg4[%add3A_26] : memref<640000xi32, #tpu.memory_space<hbm>> -> memref<80xi32, #tpu.memory_space<hbm>>
        tpu.wait_dma2 semaphore(%run_scoped3A : memref<!tpu.dma_semaphore, #tpu.memory_space<semaphore_mem>>) src(%dma_wait3A_34 : memref<80xi32, #tpu.memory_space<hbm>>) dst(%arg8 : memref<80xi32, #tpu.memory_space<vmem>>)
        tpu.yield
      }) : () -> ()
      %dma_start3A = arith.constant 0 : i32
      %dma_start3A_27 = arith.constant 0 : i32
      %dma_start3A_28 = tpu.memref_slice %arg2[%dma_start3A, %dma_start3A_27] : memref<20480x128xf32, #tpu.memory_space<hbm>> -> memref<20480x128xf32, #tpu.memory_space<hbm>>
      tpu.enqueue_indirect_dma source(%dma_start3A_28 : memref<20480x128xf32, #tpu.memory_space<hbm>>) target(%arg9 : memref<80x128xf32, #tpu.memory_space<vmem>>) offsets(%arg7 : memref<80xi32, #tpu.memory_space<vmem>>) semaphore(%arg10 : memref<!tpu.dma_semaphore, #tpu.memory_space<semaphore_mem>>)
      %dma_wait3A = arith.constant 0 : i32
      %dma_wait3A_29 = arith.constant 0 : i32
      %dma_wait3A_30 = tpu.memref_slice %arg2[%dma_wait3A, %dma_wait3A_29] : memref<20480x128xf32, #tpu.memory_space<hbm>> -> memref<20480x128xf32, #tpu.memory_space<hbm>>
      tpu.wait_indirect_dma semaphore(%arg10 : memref<!tpu.dma_semaphore, #tpu.memory_space<semaphore_mem>>) src(%dma_wait3A_30 : memref<20480x128xf32, #tpu.memory_space<hbm>>) dst(%arg9 : memref<80x128xf32, #tpu.memory_space<vmem>>)
      "tpu.region"() ({
        %run_scoped3A = tpu.sem_alloc : memref<!tpu.dma_semaphore, #tpu.memory_space<semaphore_mem>>
        %dma_start3A_31 = arith.constant 0 : i32
        %dma_start3A_32 = arith.constant 0 : i32
        %dma_start3A_33 = tpu.memref_slice %arg6[%dma_start3A_31, %dma_start3A_32] : memref<10240x128xf32, #tpu.memory_space<vmem_shared>> -> memref<10240x128xf32, #tpu.memory_space<vmem_shared>>
        tpu.enqueue_indirect_dma source(%arg9 : memref<80x128xf32, #tpu.memory_space<vmem>>) target(%dma_start3A_33 : memref<10240x128xf32, #tpu.memory_space<vmem_shared>>) offsets(%arg8 : memref<80xi32, #tpu.memory_space<vmem>>) semaphore(%run_scoped3A : memref<!tpu.dma_semaphore, #tpu.memory_space<semaphore_mem>>) {add = true}
        %dma_wait3A_34 = arith.constant 0 : i32
        %dma_wait3A_35 = arith.constant 0 : i32
        %dma_wait3A_36 = tpu.memref_slice %arg6[%dma_wait3A_34, %dma_wait3A_35] : memref<10240x128xf32, #tpu.memory_space<vmem_shared>> -> memref<10240x128xf32, #tpu.memory_space<vmem_shared>>
        tpu.wait_indirect_dma semaphore(%run_scoped3A : memref<!tpu.dma_semaphore, #tpu.memory_space<semaphore_mem>>) src(%arg9 : memref<80x128xf32, #tpu.memory_space<vmem>>) dst(%dma_wait3A_36 : memref<10240x128xf32, #tpu.memory_space<vmem_shared>>)
        tpu.yield
      }) : () -> ()
    }
    %scan3A_14 = arith.constant 250 : i32
    %barrier3A_15 = arith.constant 0 : index
    tpu.barrier barrier_id(%barrier3A_15)
    %mul3A_16 = arith.constant 640 : i32
    %mul3A_17 = arith.muli %arg1, %mul3A_16 : i32
    %mul3A_18 = arith.constant 10240 : i32
    %mul3A_19 = arith.muli %arg0, %mul3A_18 : i32
    %mul3A_20 = arith.constant 640 : i32
    %mul3A_21 = arith.muli %arg1, %mul3A_20 : i32
    %add3A_22 = arith.addi %mul3A_19, %mul3A_21 : i32
    "tpu.region"() ({
      %run_scoped3A = tpu.sem_alloc : memref<!tpu.dma_semaphore, #tpu.memory_space<semaphore_mem>>
      %dma_start3A = arith.constant 0 : i32
      %dma_start3A_23 = tpu.memref_slice %arg5[%add3A_22, %dma_start3A] : memref<20480x128xf32, #tpu.memory_space<hbm>> -> memref<640x128xf32, #tpu.memory_space<hbm>>
      %dma_start3A_24 = arith.constant 0 : i32
      %dma_start3A_25 = tpu.memref_slice %arg6[%mul3A_17, %dma_start3A_24] : memref<10240x128xf32, #tpu.memory_space<vmem_shared>> -> memref<640x128xf32, #tpu.memory_space<vmem_shared>>
      tpu.enqueue_dma source(%dma_start3A_25 : memref<640x128xf32, #tpu.memory_space<vmem_shared>>) target(%dma_start3A_23 : memref<640x128xf32, #tpu.memory_space<hbm>>) target_semaphore(%run_scoped3A : memref<!tpu.dma_semaphore, #tpu.memory_space<semaphore_mem>>)
      %dma_wait3A = arith.constant 0 : i32
      %dma_wait3A_26 = tpu.memref_slice %arg5[%add3A_22, %dma_wait3A] : memref<20480x128xf32, #tpu.memory_space<hbm>> -> memref<640x128xf32, #tpu.memory_space<hbm>>
      %dma_wait3A_27 = arith.constant 0 : i32
      %dma_wait3A_28 = tpu.memref_slice %arg6[%mul3A_17, %dma_wait3A_27] : memref<10240x128xf32, #tpu.memory_space<vmem_shared>> -> memref<640x128xf32, #tpu.memory_space<vmem_shared>>
      tpu.wait_dma2 semaphore(%run_scoped3A : memref<!tpu.dma_semaphore, #tpu.memory_space<semaphore_mem>>) src(%dma_wait3A_28 : memref<640x128xf32, #tpu.memory_space<vmem_shared>>) dst(%dma_wait3A_26 : memref<640x128xf32, #tpu.memory_space<hbm>>)
      tpu.yield
    }) : () -> ()
    return
  }
}

#map = affine_map<(d0, d1) -> (0, 0)>
#map1 = affine_map<(d0, d1) -> (0)>
module attributes {stable_mosaic.version = 14 : i64} {
  func.func @k(%arg0: i32, %arg1: i32, %arg2: memref<20480x128xf32, #tpu.memory_space<hbm>>, %arg3: memref<640000xi32, #tpu.memory_space<hbm>>, %arg4: memref<640000xi32, #tpu.memory_space<hbm>>, %arg5: memref<20480x128xf32, #tpu.memory_space<hbm>>, %arg6: memref<10240x128xf32, #tpu.memory_space<vmem_shared>>, %arg7: memref<80xi32, #tpu.memory_space<vmem>>, %arg8: memref<80xi32, #tpu.memory_space<vmem>>, %arg9: memref<80x128xf32, #tpu.memory_space<vmem>>, %arg10: memref<!tpu.dma_semaphore, #tpu.memory_space<semaphore_mem>>) attributes {dimension_semantics = [#tpu.dimension_semantics<core_parallel>, #tpu.dimension_semantics<subcore_parallel>], iteration_bounds = array<i64: 2, 16>, scalar_prefetch = 0 : i64, scratch_operands = 5 : i64, tpu.core_type = #tpu.core_type<sc_vector_subcore>, window_params = [{transform_indices = #map}, {transform_indices = #map1}, {transform_indices = #map1}, {transform_indices = #map}]} {
    %mul3A = arith.constant 10240 : i32
    %mul3A_0 = arith.muli %arg0, %mul3A : i32
    %mul3A_1 = arith.constant 640 : i32
    %mul3A_2 = arith.muli %arg1, %mul3A_1 : i32
    %add3A = arith.addi %mul3A_0, %mul3A_2 : i32
    %mul3A_3 = arith.constant 640 : i32
    %mul3A_4 = arith.muli %arg1, %mul3A_3 : i32
    "tpu.region"() ({
      %run_scoped3A = tpu.sem_alloc : memref<!tpu.dma_semaphore, #tpu.memory_space<semaphore_mem>>
      %dma_start3A = arith.constant 0 : i32
      %dma_start3A_23 = tpu.memref_slice %arg6[%mul3A_4, %dma_start3A] : memref<10240x128xf32, #tpu.memory_space<vmem_shared>> -> memref<640x128xf32, #tpu.memory_space<vmem_shared>>
      %dma_start3A_24 = arith.constant 0 : i32
      %dma_start3A_25 = tpu.memref_slice %arg2[%add3A, %dma_start3A_24] : memref<20480x128xf32, #tpu.memory_space<hbm>> -> memref<640x128xf32, #tpu.memory_space<hbm>>
      tpu.enqueue_dma source(%dma_start3A_25 : memref<640x128xf32, #tpu.memory_space<hbm>>) target(%dma_start3A_23 : memref<640x128xf32, #tpu.memory_space<vmem_shared>>) target_semaphore(%run_scoped3A : memref<!tpu.dma_semaphore, #tpu.memory_space<semaphore_mem>>)
      %dma_wait3A = arith.constant 0 : i32
      %dma_wait3A_26 = tpu.memref_slice %arg6[%mul3A_4, %dma_wait3A] : memref<10240x128xf32, #tpu.memory_space<vmem_shared>> -> memref<640x128xf32, #tpu.memory_space<vmem_shared>>
      %dma_wait3A_27 = arith.constant 0 : i32
      %dma_wait3A_28 = tpu.memref_slice %arg2[%add3A, %dma_wait3A_27] : memref<20480x128xf32, #tpu.memory_space<hbm>> -> memref<640x128xf32, #tpu.memory_space<hbm>>
      tpu.wait_dma2 semaphore(%run_scoped3A : memref<!tpu.dma_semaphore, #tpu.memory_space<semaphore_mem>>) src(%dma_wait3A_28 : memref<640x128xf32, #tpu.memory_space<hbm>>) dst(%dma_wait3A_26 : memref<640x128xf32, #tpu.memory_space<vmem_shared>>)
      tpu.yield
    }) : () -> ()
    %barrier3A = arith.constant 0 : index
    tpu.barrier barrier_id(%barrier3A)
    %mul3A_5 = arith.constant 320000 : i32
    %mul3A_6 = arith.muli %arg0, %mul3A_5 : i32
    %mul3A_7 = arith.constant 20000 : i32
    %mul3A_8 = arith.muli %arg1, %mul3A_7 : i32
    %add3A_9 = arith.addi %mul3A_6, %mul3A_8 : i32
    %scan3A = arith.constant 0 : i32
    %scan3A_10 = arith.constant 0 : i32
    %scan3A_11 = arith.constant 250 : i32
    %scan3A_12 = arith.addi %scan3A_10, %scan3A_11 : i32
    %scan3A_13 = arith.constant 1 : i32
    scf.for %scan3A_23 = %scan3A_10 to %scan3A_12 step %scan3A_13  : i32 {
      %mul3A_24 = arith.constant 80 : i32
      %mul3A_25 = arith.muli %scan3A_23, %mul3A_24 : i32
      %add3A_26 = arith.addi %add3A_9, %mul3A_25 : i32
      "tpu.region"() ({
        %run_scoped3A = tpu.sem_alloc : memref<!tpu.dma_semaphore, #tpu.memory_space<semaphore_mem>>
        %dma_start3A_31 = tpu.memref_slice %arg3[%add3A_26] : memref<640000xi32, #tpu.memory_space<hbm>> -> memref<80xi32, #tpu.memory_space<hbm>>
        %dma_start3A_32 = tpu.memref_slice %arg3[%add3A_26] : memref<640000xi32, #tpu.memory_space<hbm>> -> memref<80xi32, #tpu.memory_space<hbm>>
        tpu.enqueue_dma source(%dma_start3A_32 : memref<80xi32, #tpu.memory_space<hbm>>) target(%arg7 : memref<80xi32, #tpu.memory_space<vmem>>) target_semaphore(%run_scoped3A : memref<!tpu.dma_semaphore, #tpu.memory_space<semaphore_mem>>)
        %dma_wait3A_33 = tpu.memref_slice %arg3[%add3A_26] : memref<640000xi32, #tpu.memory_space<hbm>> -> memref<80xi32, #tpu.memory_space<hbm>>
        %dma_wait3A_34 = tpu.memref_slice %arg3[%add3A_26] : memref<640000xi32, #tpu.memory_space<hbm>> -> memref<80xi32, #tpu.memory_space<hbm>>
        tpu.wait_dma2 semaphore(%run_scoped3A : memref<!tpu.dma_semaphore, #tpu.memory_space<semaphore_mem>>) src(%dma_wait3A_34 : memref<80xi32, #tpu.memory_space<hbm>>) dst(%arg7 : memref<80xi32, #tpu.memory_space<vmem>>)
        tpu.yield
      }) : () -> ()
      "tpu.region"() ({
        %run_scoped3A = tpu.sem_alloc : memref<!tpu.dma_semaphore, #tpu.memory_space<semaphore_mem>>
        %dma_start3A_31 = tpu.memref_slice %arg4[%add3A_26] : memref<640000xi32, #tpu.memory_space<hbm>> -> memref<80xi32, #tpu.memory_space<hbm>>
        %dma_start3A_32 = tpu.memref_slice %arg4[%add3A_26] : memref<640000xi32, #tpu.memory_space<hbm>> -> memref<80xi32, #tpu.memory_space<hbm>>
        tpu.enqueue_dma source(%dma_start3A_32 : memref<80xi32, #tpu.memory_space<hbm>>) target(%arg8 : memref<80xi32, #tpu.memory_space<vmem>>) target_semaphore(%run_scoped3A : memref<!tpu.dma_semaphore, #tpu.memory_space<semaphore_mem>>)
        %dma_wait3A_33 = tpu.memref_slice %arg4[%add3A_26] : memref<640000xi32, #tpu.memory_space<hbm>> -> memref<80xi32, #tpu.memory_space<hbm>>
        %dma_wait3A_34 = tpu.memref_slice %arg4[%add3A_26] : memref<640000xi32, #tpu.memory_space<hbm>> -> memref<80xi32, #tpu.memory_space<hbm>>
        tpu.wait_dma2 semaphore(%run_scoped3A : memref<!tpu.dma_semaphore, #tpu.memory_space<semaphore_mem>>) src(%dma_wait3A_34 : memref<80xi32, #tpu.memory_space<hbm>>) dst(%arg8 : memref<80xi32, #tpu.memory_space<vmem>>)
        tpu.yield
      }) : () -> ()
      %dma_start3A = arith.constant 0 : i32
      %dma_start3A_27 = arith.constant 0 : i32
      %dma_start3A_28 = tpu.memref_slice %arg2[%dma_start3A, %dma_start3A_27] : memref<20480x128xf32, #tpu.memory_space<hbm>> -> memref<20480x128xf32, #tpu.memory_space<hbm>>
      tpu.enqueue_indirect_dma source(%dma_start3A_28 : memref<20480x128xf32, #tpu.memory_space<hbm>>) target(%arg9 : memref<80x128xf32, #tpu.memory_space<vmem>>) offsets(%arg7 : memref<80xi32, #tpu.memory_space<vmem>>) semaphore(%arg10 : memref<!tpu.dma_semaphore, #tpu.memory_space<semaphore_mem>>)
      %dma_wait3A = arith.constant 0 : i32
      %dma_wait3A_29 = arith.constant 0 : i32
      %dma_wait3A_30 = tpu.memref_slice %arg2[%dma_wait3A, %dma_wait3A_29] : memref<20480x128xf32, #tpu.memory_space<hbm>> -> memref<20480x128xf32, #tpu.memory_space<hbm>>
      tpu.wait_indirect_dma semaphore(%arg10 : memref<!tpu.dma_semaphore, #tpu.memory_space<semaphore_mem>>) src(%dma_wait3A_30 : memref<20480x128xf32, #tpu.memory_space<hbm>>) dst(%arg9 : memref<80x128xf32, #tpu.memory_space<vmem>>)
      "tpu.region"() ({
        %run_scoped3A = tpu.sem_alloc : memref<!tpu.dma_semaphore, #tpu.memory_space<semaphore_mem>>
        %dma_start3A_31 = arith.constant 0 : i32
        %dma_start3A_32 = arith.constant 0 : i32
        %dma_start3A_33 = tpu.memref_slice %arg6[%dma_start3A_31, %dma_start3A_32] : memref<10240x128xf32, #tpu.memory_space<vmem_shared>> -> memref<10240x128xf32, #tpu.memory_space<vmem_shared>>
        tpu.enqueue_indirect_dma source(%arg9 : memref<80x128xf32, #tpu.memory_space<vmem>>) target(%dma_start3A_33 : memref<10240x128xf32, #tpu.memory_space<vmem_shared>>) offsets(%arg8 : memref<80xi32, #tpu.memory_space<vmem>>) semaphore(%run_scoped3A : memref<!tpu.dma_semaphore, #tpu.memory_space<semaphore_mem>>) {add = true}
        %dma_wait3A_34 = arith.constant 0 : i32
        %dma_wait3A_35 = arith.constant 0 : i32
        %dma_wait3A_36 = tpu.memref_slice %arg6[%dma_wait3A_34, %dma_wait3A_35] : memref<10240x128xf32, #tpu.memory_space<vmem_shared>> -> memref<10240x128xf32, #tpu.memory_space<vmem_shared>>
        tpu.wait_indirect_dma semaphore(%run_scoped3A : memref<!tpu.dma_semaphore, #tpu.memory_space<semaphore_mem>>) src(%arg9 : memref<80x128xf32, #tpu.memory_space<vmem>>) dst(%dma_wait3A_36 : memref<10240x128xf32, #tpu.memory_space<vmem_shared>>)
        tpu.yield
      }) : () -> ()
    }
    %scan3A_14 = arith.constant 250 : i32
    %barrier3A_15 = arith.constant 0 : index
    tpu.barrier barrier_id(%barrier3A_15)
    %mul3A_16 = arith.constant 640 : i32
    %mul3A_17 = arith.muli %arg1, %mul3A_16 : i32
    %mul3A_18 = arith.constant 10240 : i32
    %mul3A_19 = arith.muli %arg0, %mul3A_18 : i32
    %mul3A_20 = arith.constant 640 : i32
    %mul3A_21 = arith.muli %arg1, %mul3A_20 : i32
    %add3A_22 = arith.addi %mul3A_19, %mul3A_21 : i32
    "tpu.region"() ({
      %run_scoped3A = tpu.sem_alloc : memref<!tpu.dma_semaphore, #tpu.memory_space<semaphore_mem>>
      %dma_start3A = arith.constant 0 : i32
      %dma_start3A_23 = tpu.memref_slice %arg5[%add3A_22, %dma_start3A] : memref<20480x128xf32, #tpu.memory_space<hbm>> -> memref<640x128xf32, #tpu.memory_space<hbm>>
      %dma_start3A_24 = arith.constant 0 : i32
      %dma_start3A_25 = tpu.memref_slice %arg6[%mul3A_17, %dma_start3A_24] : memref<10240x128xf32, #tpu.memory_space<vmem_shared>> -> memref<640x128xf32, #tpu.memory_space<vmem_shared>>
      tpu.enqueue_dma source(%dma_start3A_25 : memref<640x128xf32, #tpu.memory_space<vmem_shared>>) target(%dma_start3A_23 : memref<640x128xf32, #tpu.memory_space<hbm>>) target_semaphore(%run_scoped3A : memref<!tpu.dma_semaphore, #tpu.memory_space<semaphore_mem>>)
      %dma_wait3A = arith.constant 0 : i32
      %dma_wait3A_26 = tpu.memref_slice %arg5[%add3A_22, %dma_wait3A] : memref<20480x128xf32, #tpu.memory_space<hbm>> -> memref<640x128xf32, #tpu.memory_space<hbm>>
      %dma_wait3A_27 = arith.constant 0 : i32
      %dma_wait3A_28 = tpu.memref_slice %arg6[%mul3A_17, %dma_wait3A_27] : memref<10240x128xf32, #tpu.memory_space<vmem_shared>> -> memref<640x128xf32, #tpu.memory_space<vmem_shared>>
      tpu.wait_dma2 semaphore(%run_scoped3A : memref<!tpu.dma_semaphore, #tpu.memory_space<semaphore_mem>>) src(%dma_wait3A_28 : memref<640x128xf32, #tpu.memory_space<vmem_shared>>) dst(%dma_wait3A_26 : memref<640x128xf32, #tpu.memory_space<hbm>>)
      tpu.yield
    }) : () -> ()
    return
  }
}

module attributes {stable_mosaic.version = 14 : i64} {
  func.func @body(%arg0: i32, %arg1: memref<1024x128xf32, #tpu.memory_space<vmem>>, %arg2: memref<1024x128xf32, #tpu.memory_space<vmem>>, %arg3: memref<128x128xf32, #tpu.memory_space<vmem>>, %arg4: memref<1x128xf32, #tpu.memory_space<vmem>>, %arg5: memref<128x128xf32, #tpu.memory_space<vmem>>, %arg6: memref<1x128xf32, #tpu.memory_space<vmem>>, %arg7: memref<1x1xf32, #tpu.memory_space<smem>>, %arg8: memref<1024x128xf32, #tpu.memory_space<vmem>>) attributes {dimension_semantics = [#tpu.dimension_semantics<arbitrary>], iteration_bounds = array<i64: 20>, scalar_prefetch = 0 : i64, scratch_operands = 0 : i64, tpu.core_type = #tpu.core_type<tc>, window_params = [{transform_indices = @transform_0, window_bounds = array<i64: 1024, 128>}, {transform_indices = @transform_1, window_bounds = array<i64: 1024, 128>}, {pipeline_mode = #tpu.pipeline_mode<synchronous>, transform_indices = @transform_2, window_bounds = array<i64: 128, 128>}, {pipeline_mode = #tpu.pipeline_mode<synchronous>, transform_indices = @transform_3, window_bounds = array<i64: 1, 128>}, {pipeline_mode = #tpu.pipeline_mode<synchronous>, transform_indices = @transform_4, window_bounds = array<i64: 128, 128>}, {pipeline_mode = #tpu.pipeline_mode<synchronous>, transform_indices = @transform_5, window_bounds = array<i64: 1, 128>}, {transform_indices = @transform_6, window_bounds = array<i64: 1, 1>}, {transform_indices = @transform_7, window_bounds = array<i64: 1024, 128>}]} {
    %get3A = arith.constant 0 : index
    %get3A_0 = arith.constant 0 : index
    %get3A_1 = vector.load %arg1[%get3A, %get3A_0] : memref<1024x128xf32, #tpu.memory_space<vmem>>, vector<1024x128xf32>
    %get3A_2 = arith.constant 0 : index
    %get3A_3 = arith.constant 0 : index
    %get3A_4 = memref.load %arg7[%get3A_2, %get3A_3] : memref<1x1xf32, #tpu.memory_space<smem>>
    %get3A_5 = arith.constant 0 : index
    %get3A_6 = arith.constant 0 : index
    %get3A_7 = vector.load %arg2[%get3A_5, %get3A_6] : memref<1024x128xf32, #tpu.memory_space<vmem>>, vector<1024x128xf32>
    %mul3A = vector.broadcast %get3A_4 : f32 to vector<1024x128xf32>
    %mul3A_8 = arith.mulf %mul3A, %get3A_7 : vector<1024x128xf32>
    %add3A = arith.addf %get3A_1, %mul3A_8 : vector<1024x128xf32>
    %get3A_9 = arith.constant 0 : index
    %get3A_10 = arith.constant 0 : index
    %get3A_11 = vector.load %arg3[%get3A_9, %get3A_10] : memref<128x128xf32, #tpu.memory_space<vmem>>, vector<128x128xf32>
    %dot_general3A = arith.constant dense<0.000000e+00> : vector<1024x128xf32>
    %dot_general3A_12 = tpu.matmul %add3A, %get3A_11, %dot_general3A {dimension_numbers = #tpu.dot_dimension_numbers<[1], [0], [0], [1], [0, 0, 1, 1], [], []>, transpose_lhs_hint = false} : vector<1024x128xf32>, vector<128x128xf32>, vector<1024x128xf32> -> vector<1024x128xf32>
    %get3A_13 = arith.constant 0 : index
    %get3A_14 = arith.constant 0 : index
    %get3A_15 = vector.load %arg4[%get3A_13, %get3A_14] : memref<1x128xf32, #tpu.memory_space<vmem>>, vector<1x128xf32>
    %add3A_16 = vector.broadcast %get3A_15 : vector<1x128xf32> to vector<1024x128xf32>
    %add3A_17 = arith.addf %dot_general3A_12, %add3A_16 : vector<1024x128xf32>
    %max3A = arith.constant 0.000000e+00 : f32
    %max3A_18 = vector.broadcast %max3A : f32 to vector<1024x128xf32>
    %max3A_19 = arith.maximumf %add3A_17, %max3A_18 : vector<1024x128xf32>
    %get3A_20 = arith.constant 0 : index
    %get3A_21 = arith.constant 0 : index
    %get3A_22 = vector.load %arg5[%get3A_20, %get3A_21] : memref<128x128xf32, #tpu.memory_space<vmem>>, vector<128x128xf32>
    %dot_general3A_23 = arith.constant dense<0.000000e+00> : vector<1024x128xf32>
    %dot_general3A_24 = tpu.matmul %max3A_19, %get3A_22, %dot_general3A_23 {dimension_numbers = #tpu.dot_dimension_numbers<[1], [0], [0], [1], [0, 0, 1, 1], [], []>, transpose_lhs_hint = false} : vector<1024x128xf32>, vector<128x128xf32>, vector<1024x128xf32> -> vector<1024x128xf32>
    %get3A_25 = arith.constant 0 : index
    %get3A_26 = arith.constant 0 : index
    %get3A_27 = vector.load %arg6[%get3A_25, %get3A_26] : memref<1x128xf32, #tpu.memory_space<vmem>>, vector<1x128xf32>
    %add3A_28 = vector.broadcast %get3A_27 : vector<1x128xf32> to vector<1024x128xf32>
    %add3A_29 = arith.addf %dot_general3A_24, %add3A_28 : vector<1024x128xf32>
    %max3A_30 = arith.constant 0.000000e+00 : f32
    %max3A_31 = vector.broadcast %max3A_30 : f32 to vector<1024x128xf32>
    %max3A_32 = arith.maximumf %add3A_29, %max3A_31 : vector<1024x128xf32>
    %swap3A = arith.constant 0 : index
    %swap3A_33 = arith.constant 0 : index
    %swap3A_34 = vector.load %arg8[%swap3A, %swap3A_33] : memref<1024x128xf32, #tpu.memory_space<vmem>>, vector<1024x128xf32>
    tpu.vector_store %arg8[%swap3A, %swap3A_33], %max3A_32 {strides = array<i32>} : memref<1024x128xf32, #tpu.memory_space<vmem>>, vector<1024x128xf32>,
    return
  }
  func.func @transform_0(%arg0: i32) -> (i32, i32) {
    %c0_i32 = arith.constant 0 : i32
    %c0_i32_0 = arith.constant 0 : i32
    return %arg0, %c0_i32 : i32, i32
  }
  func.func @transform_1(%arg0: i32) -> (i32, i32) {
    %c0_i32 = arith.constant 0 : i32
    %c0_i32_0 = arith.constant 0 : i32
    return %arg0, %c0_i32 : i32, i32
  }
  func.func @transform_2(%arg0: i32) -> (i32, i32) {
    %c0_i32 = arith.constant 0 : i32
    %c0_i32_0 = arith.constant 0 : i32
    %c0_i32_1 = arith.constant 0 : i32
    return %c0_i32, %c0_i32_0 : i32, i32
  }
  func.func @transform_3(%arg0: i32) -> (i32, i32) {
    %c0_i32 = arith.constant 0 : i32
    %c0_i32_0 = arith.constant 0 : i32
    %c0_i32_1 = arith.constant 0 : i32
    return %c0_i32, %c0_i32_0 : i32, i32
  }
  func.func @transform_4(%arg0: i32) -> (i32, i32) {
    %c0_i32 = arith.constant 0 : i32
    %c0_i32_0 = arith.constant 0 : i32
    %c0_i32_1 = arith.constant 0 : i32
    return %c0_i32, %c0_i32_0 : i32, i32
  }
  func.func @transform_5(%arg0: i32) -> (i32, i32) {
    %c0_i32 = arith.constant 0 : i32
    %c0_i32_0 = arith.constant 0 : i32
    %c0_i32_1 = arith.constant 0 : i32
    return %c0_i32, %c0_i32_0 : i32, i32
  }
  func.func @transform_6(%arg0: i32) -> (i32, i32) {
    %c0_i32 = arith.constant 0 : i32
    %c0_i32_0 = arith.constant 0 : i32
    %c0_i32_1 = arith.constant 0 : i32
    return %c0_i32, %c0_i32_0 : i32, i32
  }
  func.func @transform_7(%arg0: i32) -> (i32, i32) {
    %c0_i32 = arith.constant 0 : i32
    %c0_i32_0 = arith.constant 0 : i32
    return %arg0, %c0_i32 : i32, i32
  }
}

module attributes {stable_mosaic.version = 14 : i64} {
  func.func @body(%arg0: memref<20480x128xf32, #tpu.memory_space<vmem>>, %arg1: memref<20480x1xi32, #tpu.memory_space<vmem>>, %arg2: memref<128x128xf32, #tpu.memory_space<vmem>>, %arg3: memref<1x128xf32, #tpu.memory_space<vmem>>, %arg4: memref<128x128xf32, #tpu.memory_space<vmem>>, %arg5: memref<1x128xf32, #tpu.memory_space<vmem>>, %arg6: memref<128x128xf32, #tpu.memory_space<vmem>>) attributes {dimension_semantics = [], scalar_prefetch = 0 : i64, scratch_operands = 0 : i64, tpu.core_type = #tpu.core_type<tc>} {
    %iota3A = tpu.iota {dimensions = array<i32: 1>} : vector<20480x128xi32>
    %get3A = arith.constant 0 : index
    %get3A_0 = arith.constant 0 : index
    %get3A_1 = vector.load %arg1[%get3A, %get3A_0] : memref<20480x1xi32, #tpu.memory_space<vmem>>, vector<20480x1xi32>
    %eq3A = vector.broadcast %get3A_1 : vector<20480x1xi32> to vector<20480x128xi32>
    %eq3A_2 = arith.cmpi eq, %eq3A, %iota3A : vector<20480x128xi32>
    %convert_element_type3A = arith.extui %eq3A_2 : vector<20480x128xi1> to vector<20480x128xi32>
    %convert_element_type3A_3 = arith.sitofp %convert_element_type3A : vector<20480x128xi32> to vector<20480x128xf32>
    %get3A_4 = arith.constant 0 : index
    %get3A_5 = arith.constant 0 : index
    %get3A_6 = vector.load %arg0[%get3A_4, %get3A_5] : memref<20480x128xf32, #tpu.memory_space<vmem>>, vector<20480x128xf32>
    %dot_general3A = arith.constant dense<0.000000e+00> : vector<128x128xf32>
    %dot_general3A_7 = tpu.matmul %convert_element_type3A_3, %get3A_6, %dot_general3A {dimension_numbers = #tpu.dot_dimension_numbers<[0], [0], [1], [1], [0, 1, 1, 1], [], []>, transpose_lhs_hint = false} : vector<20480x128xf32>, vector<20480x128xf32>, vector<128x128xf32> -> vector<128x128xf32>
    %broadcast_in_dim3A = arith.constant 1.000000e+00 : f32
    %broadcast_in_dim3A_8 = vector.broadcast %broadcast_in_dim3A : f32 to vector<20480x1xf32>
    %dot_general3A_9 = arith.constant dense<0.000000e+00> : vector<128x1xf32>
    %dot_general3A_10 = tpu.matmul %convert_element_type3A_3, %broadcast_in_dim3A_8, %dot_general3A_9 {dimension_numbers = #tpu.dot_dimension_numbers<[0], [0], [1], [1], [0, 1, 1, 1], [], []>, transpose_lhs_hint = false} : vector<20480x128xf32>, vector<20480x1xf32>, vector<128x1xf32> -> vector<128x1xf32>
    %max3A = arith.constant 1.000000e+00 : f32
    %max3A_11 = vector.broadcast %max3A : f32 to vector<128x1xf32>
    %max3A_12 = arith.maximumf %dot_general3A_10, %max3A_11 : vector<128x1xf32>
    %div3A = vector.broadcast %max3A_12 : vector<128x1xf32> to vector<128x128xf32>
    %div3A_13 = arith.divf %dot_general3A_7, %div3A : vector<128x128xf32>
    %get3A_14 = arith.constant 0 : index
    %get3A_15 = arith.constant 0 : index
    %get3A_16 = vector.load %arg2[%get3A_14, %get3A_15] : memref<128x128xf32, #tpu.memory_space<vmem>>, vector<128x128xf32>
    %dot_general3A_17 = arith.constant dense<0.000000e+00> : vector<128x128xf32>
    %dot_general3A_18 = tpu.matmul %div3A_13, %get3A_16, %dot_general3A_17 {dimension_numbers = #tpu.dot_dimension_numbers<[1], [0], [0], [1], [0, 0, 1, 1], [], []>, transpose_lhs_hint = false} : vector<128x128xf32>, vector<128x128xf32>, vector<128x128xf32> -> vector<128x128xf32>
    %get3A_19 = arith.constant 0 : index
    %get3A_20 = arith.constant 0 : index
    %get3A_21 = vector.load %arg3[%get3A_19, %get3A_20] : memref<1x128xf32, #tpu.memory_space<vmem>>, vector<1x128xf32>
    %add3A = vector.broadcast %get3A_21 : vector<1x128xf32> to vector<128x128xf32>
    %add3A_22 = arith.addf %dot_general3A_18, %add3A : vector<128x128xf32>
    %max3A_23 = arith.constant 0.000000e+00 : f32
    %max3A_24 = vector.broadcast %max3A_23 : f32 to vector<128x128xf32>
    %max3A_25 = arith.maximumf %add3A_22, %max3A_24 : vector<128x128xf32>
    %get3A_26 = arith.constant 0 : index
    %get3A_27 = arith.constant 0 : index
    %get3A_28 = vector.load %arg4[%get3A_26, %get3A_27] : memref<128x128xf32, #tpu.memory_space<vmem>>, vector<128x128xf32>
    %dot_general3A_29 = arith.constant dense<0.000000e+00> : vector<128x128xf32>
    %dot_general3A_30 = tpu.matmul %max3A_25, %get3A_28, %dot_general3A_29 {dimension_numbers = #tpu.dot_dimension_numbers<[1], [0], [0], [1], [0, 0, 1, 1], [], []>, transpose_lhs_hint = false} : vector<128x128xf32>, vector<128x128xf32>, vector<128x128xf32> -> vector<128x128xf32>
    %get3A_31 = arith.constant 0 : index
    %get3A_32 = arith.constant 0 : index
    %get3A_33 = vector.load %arg5[%get3A_31, %get3A_32] : memref<1x128xf32, #tpu.memory_space<vmem>>, vector<1x128xf32>
    %add3A_34 = vector.broadcast %get3A_33 : vector<1x128xf32> to vector<128x128xf32>
    %add3A_35 = arith.addf %dot_general3A_30, %add3A_34 : vector<128x128xf32>
    %swap3A = arith.constant 0 : index
    %swap3A_36 = arith.constant 0 : index
    %swap3A_37 = vector.load %arg6[%swap3A, %swap3A_36] : memref<128x128xf32, #tpu.memory_space<vmem>>, vector<128x128xf32>
    tpu.vector_store %arg6[%swap3A, %swap3A_36], %add3A_35 {strides = array<i32>} : memref<128x128xf32, #tpu.memory_space<vmem>>, vector<128x128xf32>,
    return
  }
}

</mosaic_0001>

<sc_bundles>
// kernel: kernel.11.cloned.1.call-start
scs
__scs_entry_jumppad:
0x0: {  	(pc) =	sbr.rel $0x88, $3  }
0x1: {  	(tag) =	ssettag $0x0;
	lr =	simm.s32 $0x1  }
0x2: {  	[smem:$0x3F8C] =	sst lr;
	_ =	strace $0xD0000000  }
0x3: {  	_ = 	snop  }
0x4: {  	_ = 	snop  }
0x5: {  	_ = 	snop  }
0x6: {  	_ = 	snop  }
0x7: {  	_ = 	snop  }
__scs_overlays_trampoline_lowered:
0x8: {  	[smem:$0x3F9B] =	sst s0  }
0x9: {  	[smem:$0x3F9C] =	sst s1  }
0xa: {  	[smem:$0x3F9D] =	sst s2  }
0xb: {  	[smem:$0x3F9E] =	sst s3  }
0xc: {  	[smem:$0x3F9F] =	sst s4  }
0xd: {  	[smem:$0x3FA0] =	sst s5  }
0xe: {  	[smem:$0x3FA1] =	sst s6  }
0xf: {  	[smem:$0x3FA2] =	sst s7  }
0x10: {  	[smem:$0x3FA3] =	sst s8  }
0x11: {  	[smem:$0x3FA4] =	sst s9;
	s0 =	simm.s32 @!p0 $0x0  }
0x12: {  	s1 =	sld [smem:$0x3F8A];
	s0 =	simm.s32 @p0 $0x1  }
0x13: {  	[smem:$0x3FA5] =	sst s0;
	s0 =	simm.s32 @!p1 $0x0  }
0x14: {  	s2 =	sld [smem:$0x3F89];
	s0 =	simm.s32 @p1 $0x1  }
0x15: {  	[smem:$0x3FA6] =	sst s0;
	s0 =	simm.s32 @!p2 $0x0  }
0x16: {  	s3 =	sld [smem:$0x3FDB];
	s0 =	simm.s32 @p2 $0x1  }
0x17: {  	s4 =	simm.s32 $0x1BF5;
	[smem:$0x3FA8] =	sst s0  }
0x18: {  	s0 =	sld [smem:$0x3F8B];
	_ =	swait.ge [sflag:s4], $0x0  }
0x19: {  	s7 =	sld [smem:$0x3F8C]  }
0x1a: {  	s8 =	sadd.s32 $0xFFFFE003, lr  }
0x1b: {  	s9 =	sadd.s32 $0xFFFFFEF7, lr;
	s5 =	simm.s32 $0xFFFFFFFF;
	p2 =	slt.u32 s8, $0xFFFFF086  }
0x1c: {  	p1 =	slt.u32 s9, $0xF7A;
	s5 =	simm.s32 @!p2 $0x0  }
0x1d: {  	s5 =	simm.s32 @p1 $0x1;
	p0 =	seq.s32 s7, s2  }
0x1e: {  	s7 =	smul.u32 @!p0 $0xF7A, s2;
	p2 =	seq.s32 @!p0 s5, $0x0  }
0x1f: {  	s9 =	smul.u32 $0xF7A, s1;
	s8 =	simm.s32 @!p0 $0x1BF5;
	p2 =	por !p2, p0  }
0x20: {  	[sflag:s8] =	ssyncset.s32 @!p0 $0xFFFFF086;
	s6 =	sadd.s32 @!p0 s3, s7;
	s7 =	simm.s32 @!p0 $0x108  }
0x21: {  	s3 =	sadd.s32 s3, s9;
	s6 =	sadd.s32 @!p0 $0x88, s6;
	s7 =	simm.s32 @p2 $0x1082  }
0x22: {  	[simem:s7], [sflag:s8] =	dma.local @!p0 [hbm:s6], $0xF7A  }
0x23: {  	s9 =	sor.u32 $0xD0000000, s2;
	s6 =	simm.s32 $0x108;
	_ =	swait.ge @!p0 [sflag:s8], $0x0  }
0x24: {  	s3 =	sadd.s32 $0x88, s3;
	s6 =	simm.s32 @!p1 $0x1082;
	[sflag:s4] =	ssyncset.s32 $0xFFFFF086  }
0x25: {  	[simem:s6], [sflag:s4] =	dma.local [hbm:s3], $0xF7A  }
0x26: {  	[smem:$0x3F8C] =	sst s1;
	(tag) =	ssettag s2;
	_ =	strace s9  }
0x27: {  	s1 =	sld [smem:$0x3F9C]  }
0x28: {  	s2 =	sld [smem:$0x3F9D]  }
0x29: {  	s4 =	sld [smem:$0x3F9F]  }
0x2a: {  	p0 =	seq.s32 s5, $0x0;
	s5 =	sld [smem:$0x3FA0]  }
0x2b: {  	s6 =	sld [smem:$0x3FA1]  }
0x2c: {  	s7 =	sld [smem:$0x3FA2]  }
0x2d: {  	s3 =	simm.s32 $0x108;
	s8 =	sld [smem:$0x3FA3]  }
0x2e: {  	s3 =	simm.s32 @!p0 $0x1082;
	s9 =	sld [smem:$0x3FA4]  }
0x2f: {  	lr =	sadd.s32 s0, s3;
	s0 =	sld [smem:$0x3F9B]  }
0x30: {  	s3 =	sld [smem:$0x3F9E]  }
0x31: {  	[smem:$0x3FA7] =	sst s10  }
0x32: {  	s10 =	sld [smem:$0x3FA5];
	_ =	sdelay $0x3  }
0x33: {  	p0 =	seq.s32 s10, $0x1;
	s10 =	sld [smem:$0x3FA7];
	_ =	sdelay $0x3  }
0x34: {  	[smem:$0x3FA7] =	sst s10  }
0x35: {  	s10 =	sld [smem:$0x3FA6];
	_ =	sdelay $0x3  }
0x36: {  	p1 =	seq.s32 s10, $0x1;
	s10 =	sld [smem:$0x3FA7];
	_ =	sdelay $0x3  }
0x37: {  	[smem:$0x3FA7] =	sst s10  }
0x38: {  	s10 =	sld [smem:$0x3FA8]  }
0x39: {  	_ = 	snop;
	(pc) =	sbr.ind lr, $3  }
0x3a: {  	_ = 	snop  }
0x3b: {  	_ = 	snop  }
0x3c: {  	p2 =	seq.s32 s10, $0x1;
	s10 =	sld [smem:$0x3FA7]  }
0x3d: {  	_ =	shalt  }
0x3e: {  	_ =	shalt  }
0x3f: {  	_ =	shalt  }
0x40: {  	_ =	shalt  }
0x41: {  	_ =	shalt  }
0x42: {  	_ =	shalt  }
0x43: {  	_ =	shalt  }
0x44: {  	_ =	shalt  }
0x45: {  	_ =	shalt  }
0x46: {  	_ =	shalt  }
0x47: {  	_ =	shalt  }
0x48: {  	_ =	shalt  }
0x49: {  	_ =	shalt  }
0x4a: {  	_ =	shalt  }
0x4b: {  	_ =	shalt  }
0x4c: {  	_ =	shalt  }
0x4d: {  	_ =	shalt  }
0x4e: {  	_ =	shalt  }
0x4f: {  	_ =	shalt  }
0x50: {  	_ =	shalt  }
0x51: {  	_ =	shalt  }
0x52: {  	_ =	shalt  }
0x53: {  	_ =	shalt  }
0x54: {  	_ =	shalt  }
0x55: {  	_ =	shalt  }
0x56: {  	_ =	shalt  }
0x57: {  	_ =	shalt  }
0x58: {  	_ =	shalt  }
0x59: {  	_ =	shalt  }
0x5a: {  	_ =	shalt  }
0x5b: {  	_ =	shalt  }
0x5c: {  	_ =	shalt  }
0x5d: {  	_ =	shalt  }
0x5e: {  	_ =	shalt  }
0x5f: {  	_ =	shalt  }
0x60: {  	_ =	shalt  }
0x61: {  	_ =	shalt  }
0x62: {  	_ =	shalt  }
0x63: {  	_ =	shalt  }
0x64: {  	_ =	shalt  }
0x65: {  	_ =	shalt  }
0x66: {  	_ =	shalt  }
0x67: {  	_ =	shalt  }
0x68: {  	_ =	shalt  }
0x69: {  	_ =	shalt  }
0x6a: {  	_ =	shalt  }
0x6b: {  	_ =	shalt  }
0x6c: {  	_ =	shalt  }
0x6d: {  	_ =	shalt  }
0x6e: {  	_ =	shalt  }
0x6f: {  	_ =	shalt  }
0x70: {  	_ =	shalt  }
0x71: {  	_ =	shalt  }
0x72: {  	_ =	shalt  }
0x73: {  	_ =	shalt  }
0x74: {  	_ =	shalt  }
0x75: {  	_ =	shalt  }
0x76: {  	_ =	shalt  }
0x77: {  	_ =	shalt  }
0x78: {  	_ =	shalt  }
0x79: {  	_ =	shalt  }
0x7a: {  	_ =	shalt  }
0x7b: {  	_ =	shalt  }
0x7c: {  	_ =	shalt  }
0x7d: {  	_ =	shalt  }
0x7e: {  	_ =	shalt  }
0x7f: {  	_ =	shalt  }
0x80: {  	_ =	shalt  }
0x81: {  	_ =	shalt  }
0x82: {  	_ =	shalt  }
0x83: {  	_ =	shalt  }
0x84: {  	_ =	shalt  }
0x85: {  	_ =	shalt  }
0x86: {  	_ =	shalt  }
0x87: {  	_ =	shalt  }
.Lfunc_end0:
.L_simem_size_0:
called_computation.1_lowered:
.L_overlay_start_0:
0x88: {  	s2 =	sld [smem:$0x3FD9]  }
0x89: {  	s3 =	sld [smem:$0x3FFE];
	_ =	sdelay $0x1  }
0x8a: {  	s1 =	srdreg.scid  }
0x8b: {  	s0 =	sand.u32 $0x1, s1  }
0x8c: {  	s16 =	sshll.u32 s0, $0xA;
	s2 =	sadd.s32 s3, s2  }
0x8d: {  	s2 =	sadd.s32 s2, s16  }
0x8e: {  	[smem:$0x3FB3] =	sst s2  }
0x8f: {  	_ = 	snop  }
0x90: {  	(tm) =	ssettm $0x1  }
0x91: {  	s17 =	sld [smem:$0x3FFB];
	_ =	sdelay $0x3  }
0x92: {  	_ =	strace s17  }
0x93: {  	s2 =	sld [smem:$0x3FFC];
	_ =	sdelay $0x3  }
0x94: {  	_ =	strace s2  }
0x95: {  	s2 =	sld [smem:$0x3FFD];
	_ =	sdelay $0x3  }
0x96: {  	_ =	strace s2  }
0x97: {  	_ =	strace $0x8FFFFFFF  }
0x98: {  	s18 =	sld [smem:$0x3FDB];
	_ =	sdelay $0x1  }
0x99: {  	s19 =	simm.s32 $_scs_section_size  }
0x9a: {  	s4 =	simm.s32 $_size__tile_overlayer_lowered;
	s5 =	simm.s32 $_tile_overlayer_lowered  }
0x9b: {  	s22 =	simm.s32 $0x1BFF;
	s21 =	sshll.u32 s5, $0x1;
	s2 =	sadd.s32 s19, s18  }
0x9c: {  	s6 =	simm.s32 $0x0;
	s20 =	sshll.u32 s4, $0x1;
	s4 =	sadd.s32 s21, s2  }
0x9d: {  	[timem:s6], [sflag:s22] =	dma.local [hbm:s4], s20  }
0x9e: {  	_ =	swait.ge [sflag:s22], s20  }
0x9f: {  	s3 =	ssub.s32 $0x0, s20;
	[sflag:s22] =	ssyncset.done $0x0  }
0xa0: {  	[sflag:s22] =	ssyncadd.s32 s3;
	_ =	sdelay $0x1  }
0xa1: {  	s23 =	simm.s32 $0x1B8B  }
0xa2: {  	_ =	swait.ge [sflag:s23], $0x1  }
0xa3: {  	[sflag:s23] =	ssyncset.done $0x0  }
0xa4: {  	s25 =	simm.s32 $0x1B8E;
	s24 =	sld [smem:$0x3FFE];
	[sflag:s23] =	ssyncadd.s32 $0xFFFFFFFF  }
0xa5: {  	s26 =	simm.s32 $execute0_lowered;
	[smem:$0x3FD2] =	sst s25  }
0xa6: {  	s4 =	sshll.u32 s26, $0x1;
	_ =	strace $0x80000049;
	[dreg:$0x1] =	wrdreg $0xFFFFFFFF  }
0xa7: {  	s28 =	simm.s32 $_size_execute0_lowered;
	s2 =	sadd.s32 s2, s4;
	[dreg:$0x0] =	wrdreg $0x0  }
0xa8: {  	s4 =	sshll.u32 s28, $0x1;
	[dreg:$0x2] =	wrdreg s2  }
0xa9: {  	[dreg:$0x3] =	wrdreg s4  }
0xaa: {  	[dreg:$0x4] =	wrdreg $0xC0  }
0xab: {  	_ =	task [dreg:s6], $0x5FFFF  }
0xac: {  	[dreg:$0x1] =	wrdreg $0xFFFFFFFF  }
0xad: {  	[dreg:$0x0] =	wrdreg $0x60  }
0xae: {  	[dreg:$0x2] =	wrdreg s24  }
0xaf: {  	[dreg:$0x3] =	wrdreg $0x0  }
0xb0: {  	[dreg:$0x4] =	wrdreg $0x9  }
0xb1: {  	_ =	task.clear_ibuf [dreg:s6], $0x5FFFF;
	_ =	strace $0x90000049  }
0xb2: {  	s29 =	simm.s32 $0x9;
	_ =	strace $0x8000004B  }
0xb3: {  	_ =	swait.ge [sflag:s29], $0x1  }
0xb4: {  	[sflag:s29] =	ssyncadd.s32 $0xFFFFFFFF  }
0xb5: {  	_ =	strace $0x9000004B  }
0xb6: {  	_ =	sfence  }
0xb7: {  	s30 =	sld [smem:$0x0];
	_ =	sdelay $0x2  }
0xb8: {  	s31 =	sshll.u32 s1, $0xD;
	s1 =	sshrl.u32 s1, $0x2  }
0xb9: {  	s3 =	sand.u32 $0x4000, s31;
	s1 =	sadd.s32 s1, s30  }
0xba: {  	s0 =	sor.u32 s3, s0;
	s1 =	sshll.u32 s1, $0x11  }
0xbb: {  	s0 =	sor.u32 s1, s0  }
0xbc: {  	s0 =	sadd.s32 $0x8F2B, s0  }
0xbd: {  	[sflag:s0] =	ssyncadd.remote.s32 $0x1  }
0xbe: {  	_ =	sfence.sel $0xFFFF  }
0xbf: {  	[dreg:$0x0] =	wrdreg $0xFFFFFFFF;
	(pc) =	sbr.abs _section_cstart, $3  }
0xc0: {  	[dreg:$0x1] =	wrdreg $0xFFFFFFFF  }
0xc1: {  	_ =	task.clear_ibuf [dreg:s6], $0x2FFFF;
	_ =	strace $0x9FFFFFFF  }
0xc2: {  	(tm) =	ssettm $0x7FFFFFFF  }
0xc3: {  	_ =	shalt  }
tec
execute0_lowered:
.L_overlay_start_1:
0x0: {  	(tag) =	ssettag $0x1  }
0x1: {  	s5 =	rddreg [dreg:$0x0]  }
0x2: {  	s2 =	rddreg [dreg:$0x1]  }
0x3: {  	s0 =	srdreg.scid;
	s1 =	rddreg [dreg:$0x2];
	s3 =	simm.s32 $0x0  }
0x4: {  	s13 =	simm.s32 $0x14000;
	s14 =	simm.s32 $0x14080;
	s6 =	sand.u32 $0x1, s0  }
0x5: {  	s15 =	simm.s32 $0x50;
	s0 =	stileid.u32;
	s4 =	smul.u32 $0x4E200, s6  }
0x6: {  	s16 =	simm.s32 $0x14100;
	s17 =	simm.s32 $0x1;
	s7 =	smul.u32 $0x4E20, s0  }
0x7: {  	s18 =	simm.s32 $0x0;
	[smem:$0x7FF] =	sst s3;
	s8 =	smul.u32 $0x2800, s6  }
0x8: {  	s9 =	smul.u32 $0x280, s0;
	_ =	strace $0x8000004A;
	s6 =	ssub.s32 $0x2, s6  }
0x9: {  	s26 =	smul.u32 $0x50000, s0;
	s31 =	sshll.u32 s0, $0x6;
	s29 =	sshrl.u32 s6, $0x1  }
0xa: {  	s7 =	sadd.s32 s7, s4;
	s4 =	sadd.s32 $0x3200, s5;
	s8 =	sadd.s32 s9, s8  }
0xb: {  	s11 =	ssub.s32 s6, s29;
	s30 =	sshrl.u32 s26, $0x2;
	s6 =	sor.u32 $0x1C02, s31  }
0xc: {  	s7 =	sshrl.u32 s7, $0x3;
	s8 =	sshll.u32 s8, $0x4;
	s12 =	sadd.s32 s30, s2  }
0xd: {  	s10 =	sadd.s32 s7, s5;
	s28 =	sadd.s32 s8, s5;
	s5 =	sadd.s32 s4, s8  }
0xe: {  	s8 =	smax.u32 s11, $0x1;
	s11 =	sshrl.u32 s12, $0x3;
	s12 =	simm.s32 $0x2  }
0xf: {  	s7 =	sadd.s32 $0x7A600, s28;
	s9 =	sadd.s32 $0x66C00, s10;
	s10 =	sadd.s32 $0x53200, s10  }
.LBB2_1:
0x10: {  	[spmem:s11], [sflag:s6] =	dma.local [hbm:s5], $0x2800  }
0x11: {  	_ =	swait.ge [sflag:s12], $0x2800  }
0x12: {  	[sflag:s12] =	ssyncset.done $0x0  }
0x13: {  	[sflag:s12] =	ssyncadd.s32 $0xFFFFD800  }
0x14: {  	s19 =	sadd.s32 $0x0, s10;
	[bflag:$0x0] =	sbarrier.arrive $0xFFFF  }
0x15: {  	[tilespmem:s13], [sflag:$0x2] =	stream.linear.gather [hbm4b:s19+s3], $0x50, $0x38;
	[tilespmem:$0x16900] =	vst v63  }
0x16: {  	_ =	swait.ge [sflag:s12], $0x50  }
0x17: {  	[sflag:s12] =	ssyncset.done $0x0  }
0x18: {  	s31 =	sadd.s32 $0x0, s9;
	[sflag:s12] =	ssyncadd.s32 $0xFFFFFFB0  }
0x19: {  	[tilespmem:s14], [sflag:$0x2] =	stream.linear.gather [hbm4b:s31+s3], $0x50, $0x38;
	[tilespmem:$0x16900] =	vst v63  }
0x1a: {  	_ =	swait.ge [sflag:s12], $0x50  }
0x1b: {  	[sflag:s12] =	ssyncset.done $0x0  }
0x1c: {  	[sflag:s12] =	ssyncadd.s32 $0xFFFFFFB0  }
0x1d: {  	[tilespmem:s16], [sflag:$0x1] =	stream.indirect.gather [hbm4b:s4+s15], $0x80, s13, s15, $0xb8;
	[tilespmem:$0x16900] =	vst v63  }
0x1e: {  	_ =	swait.ge [sflag:s17], $0x2800  }
0x1f: {  	[sflag:s17] =	ssyncset.done $0x0  }
0x20: {  	[sflag:s17] =	ssyncadd.s32 $0xFFFFD800  }
0x21: {  	[spmem:s2] =	stream.indirect.scatter.add.f32 [tilespmem:s16], [sflag:$0x2], $0x80, s14, s15, $0xb8;
	[tilespmem:$0x16900] =	vst v63  }
0x22: {  	_ =	swait.ge [sflag:s12], $0x2800  }
0x23: {  	s20 =	simm.s32 $0x14;
	s19 =	simm.s32 $0xA;
	[sflag:s12] =	ssyncset.done $0x0  }
.LBB2_2:
0x24: {  	s21 =	sadd.s32 s19, s10  }
0x25: {  	[sflag:s12] =	ssyncadd.s32 $0xFFFFD800;
	s22 =	smov.u32 s20;
	s23 =	sadd.s32 $0xA, s20  }
0x26: {  	[tilespmem:s13], [sflag:$0x2] =	stream.linear.gather [hbm4b:s21+s3], $0x50, $0x38;
	[tilespmem:$0x16900] =	vst v63  }
0x27: {  	p0 =	sne.s32 s20, $0x9BA;
	_ =	swait.ge [sflag:s12], $0x50  }
0x28: {  	[sflag:s12] =	ssyncset.done $0x0  }
0x29: {  	s20 =	sadd.s32 s19, s9;
	s19 =	smov.u32 s22;
	[sflag:s12] =	ssyncadd.s32 $0xFFFFFFB0  }
0x2a: {  	[tilespmem:s14], [sflag:$0x2] =	stream.linear.gather [hbm4b:s20+s3], $0x50, $0x38;
	[tilespmem:$0x16900] =	vst v63  }
0x2b: {  	_ =	swait.ge [sflag:s12], $0x50  }
0x2c: {  	[sflag:s12] =	ssyncset.done $0x0  }
0x2d: {  	[sflag:s12] =	ssyncadd.s32 $0xFFFFFFB0  }
0x2e: {  	[tilespmem:s16], [sflag:$0x1] =	stream.indirect.gather [hbm4b:s4+s15], $0x80, s13, s15, $0xb8;
	[tilespmem:$0x16900] =	vst v63  }
0x2f: {  	_ =	swait.ge [sflag:s17], $0x2800  }
.Ltmp0:
0x30: {  	[sflag:s17] =	ssyncset.done $0x0;
	(pc) =	sbr.rel @p0 .LBB2_2-.Ltmp0, $4  }
0x31: {  	[sflag:s17] =	ssyncadd.s32 $0xFFFFD800  }
0x32: {  	[spmem:s2] =	stream.indirect.scatter.add.f32 [tilespmem:s16], [sflag:$0x2], $0x80, s14, s15, $0xb8;
	[tilespmem:$0x16900] =	vst v63  }
0x33: {  	_ =	swait.ge [sflag:s12], $0x2800  }
0x34: {  	s20 =	smov.u32 s23;
	[sflag:s12] =	ssyncset.done $0x0  }
0x35: {  	s20 =	sadd.s32 s19, s10;
	[sflag:s12] =	ssyncadd.s32 $0xFFFFD800  }
0x36: {  	[tilespmem:s13], [sflag:$0x2] =	stream.linear.gather [hbm4b:s20+s3], $0x50, $0x38;
	[tilespmem:$0x16900] =	vst v63  }
0x37: {  	_ =	swait.ge [sflag:s12], $0x50  }
0x38: {  	[sflag:s12] =	ssyncset.done $0x0  }
0x39: {  	s31 =	sadd.s32 s19, s9;
	[sflag:s12] =	ssyncadd.s32 $0xFFFFFFB0  }
0x3a: {  	[tilespmem:s14], [sflag:$0x2] =	stream.linear.gather [hbm4b:s31+s3], $0x50, $0x38;
	[tilespmem:$0x16900] =	vst v63  }
0x3b: {  	_ =	swait.ge [sflag:s12], $0x50  }
0x3c: {  	[sflag:s12] =	ssyncset.done $0x0  }
0x3d: {  	[sflag:s12] =	ssyncadd.s32 $0xFFFFFFB0  }
0x3e: {  	[tilespmem:s16], [sflag:$0x1] =	stream.indirect.gather [hbm4b:s4+s15], $0x80, s13, s15, $0xb8;
	[tilespmem:$0x16900] =	vst v63  }
0x3f: {  	_ =	swait.ge [sflag:s17], $0x2800  }
0x40: {  	[sflag:s17] =	ssyncset.done $0x0  }
0x41: {  	[sflag:s17] =	ssyncadd.s32 $0xFFFFD800  }
0x42: {  	[spmem:s2] =	stream.indirect.scatter.add.f32 [tilespmem:s16], [sflag:$0x2], $0x80, s14, s15, $0xb8;
	[tilespmem:$0x16900] =	vst v63  }
0x43: {  	_ =	swait.ge [sflag:s12], $0x2800  }
0x44: {  	s18 =	sadd.s32 $0x1, s18;
	[sflag:s12] =	ssyncset.done $0x0  }
0x45: {  	p0 =	sne.s32 s18, s8;
	[sflag:s12] =	ssyncadd.s32 $0xFFFFD800  }
.Ltmp1:
0x46: {  	[bflag:$0x0] =	sbarrier.arrive $0xFFFF;
	(pc) =	sbr.rel @p0 .LBB2_1-.Ltmp1, $4  }
0x47: {  	[hbm:s7], [sflag:s6] =	dma.local [spmem:s11], $0x2800  }
0x48: {  	_ =	swait.ge [sflag:s12], $0x2800  }
0x49: {  	[sflag:s12] =	ssyncset.done $0x0  }
0x4a: {  	[sflag:s12] =	ssyncadd.s32 $0xFFFFD800  }
0x4b: {  	_ =	sfence.sel $0x180000  }
0x4c: {  	[bflag:$0x0] =	sbarrier.arrive $0xFFFF  }
0x4d: {  	p0 =	sne.s32 s0, $0x0;
	_ =	strace $0x9000004A  }
0x4e: {  	s0 =	sadd.s32 @!p0 $0x100000, s1;
	[bflag:$0x2] =	sbarrier.arrive $0xFFFF  }
0x4f: {  	[sflag:s0] =	ssyncadd.tile.s32 @!p0 $0x1;
	_ =	shalt  }
.Lfunc_end2:
_tile_overlayer_lowered:
.L_overlay_start_2:
0x50: {  	(tag) =	ssettag $0x2  }
0x51: {  	s0 =	rddreg [dreg:$0x0];
	s2 =	stileid.u32  }
0x52: {  	s1 =	rddreg [dreg:$0x1];
	p0 =	sne.s32 s2, $0x0  }
0x53: {  	s3 =	rddreg [dreg:$0x2];
	[bflag:$0x3] =	sbarrier.arrive $0xFFFF;
	s2 =	simm.s32 @!p0 $0x1C02  }
0x54: {  	[timem:s3], [sflag:s2] =	dma.local @!p0 [hbm:s0], s1  }
0x55: {  	s0 =	simm.s32 @!p0 $0x2  }
0x56: {  	_ =	swait.ge @!p0 [sflag:s0], s1  }
0x57: {  	s1 =	ssub.s32 @!p0 $0x0, s1;
	[sflag:s0] =	ssyncset.done @!p0 $0x0  }
0x58: {  	[sflag:s0] =	ssyncadd.s32 @!p0 s1  }
0x59: {  	[bflag:$0x3] =	sbarrier.arrive $0xFFFF  }
0x5a: {  	_ =	shalt  }

// kernel: kernel.14.cloned.1.call-start
scs
__scs_entry_jumppad:
0x0: {  	(pc) =	sbr.rel $0x88, $3  }
0x1: {  	(tag) =	ssettag $0x0;
	lr =	simm.s32 $0x1  }
0x2: {  	[smem:$0x3F8C] =	sst lr;
	_ =	strace $0xD0000000  }
0x3: {  	_ = 	snop  }
0x4: {  	_ = 	snop  }
0x5: {  	_ = 	snop  }
0x6: {  	_ = 	snop  }
0x7: {  	_ = 	snop  }
__scs_overlays_trampoline_lowered:
0x8: {  	[smem:$0x3F9B] =	sst s0  }
0x9: {  	[smem:$0x3F9C] =	sst s1  }
0xa: {  	[smem:$0x3F9D] =	sst s2  }
0xb: {  	[smem:$0x3F9E] =	sst s3  }
0xc: {  	[smem:$0x3F9F] =	sst s4  }
0xd: {  	[smem:$0x3FA0] =	sst s5  }
0xe: {  	[smem:$0x3FA1] =	sst s6  }
0xf: {  	[smem:$0x3FA2] =	sst s7  }
0x10: {  	[smem:$0x3FA3] =	sst s8  }
0x11: {  	[smem:$0x3FA4] =	sst s9;
	s0 =	simm.s32 @!p0 $0x0  }
0x12: {  	s1 =	sld [smem:$0x3F8A];
	s0 =	simm.s32 @p0 $0x1  }
0x13: {  	[smem:$0x3FA5] =	sst s0;
	s0 =	simm.s32 @!p1 $0x0  }
0x14: {  	s2 =	sld [smem:$0x3F89];
	s0 =	simm.s32 @p1 $0x1  }
0x15: {  	[smem:$0x3FA6] =	sst s0;
	s0 =	simm.s32 @!p2 $0x0  }
0x16: {  	s3 =	sld [smem:$0x3FDB];
	s0 =	simm.s32 @p2 $0x1  }
0x17: {  	s4 =	simm.s32 $0x1BF5;
	[smem:$0x3FA8] =	sst s0  }
0x18: {  	s0 =	sld [smem:$0x3F8B];
	_ =	swait.ge [sflag:s4], $0x0  }
0x19: {  	s7 =	sld [smem:$0x3F8C]  }
0x1a: {  	s8 =	sadd.s32 $0xFFFFE003, lr  }
0x1b: {  	s9 =	sadd.s32 $0xFFFFFEF7, lr;
	s5 =	simm.s32 $0xFFFFFFFF;
	p2 =	slt.u32 s8, $0xFFFFF086  }
0x1c: {  	p1 =	slt.u32 s9, $0xF7A;
	s5 =	simm.s32 @!p2 $0x0  }
0x1d: {  	s5 =	simm.s32 @p1 $0x1;
	p0 =	seq.s32 s7, s2  }
0x1e: {  	s7 =	smul.u32 @!p0 $0xF7A, s2;
	p2 =	seq.s32 @!p0 s5, $0x0  }
0x1f: {  	s9 =	smul.u32 $0xF7A, s1;
	s8 =	simm.s32 @!p0 $0x1BF5;
	p2 =	por !p2, p0  }
0x20: {  	[sflag:s8] =	ssyncset.s32 @!p0 $0xFFFFF086;
	s6 =	sadd.s32 @!p0 s3, s7;
	s7 =	simm.s32 @!p0 $0x108  }
0x21: {  	s3 =	sadd.s32 s3, s9;
	s6 =	sadd.s32 @!p0 $0x88, s6;
	s7 =	simm.s32 @p2 $0x1082  }
0x22: {  	[simem:s7], [sflag:s8] =	dma.local @!p0 [hbm:s6], $0xF7A  }
0x23: {  	s9 =	sor.u32 $0xD0000000, s2;
	s6 =	simm.s32 $0x108;
	_ =	swait.ge @!p0 [sflag:s8], $0x0  }
0x24: {  	s3 =	sadd.s32 $0x88, s3;
	s6 =	simm.s32 @!p1 $0x1082;
	[sflag:s4] =	ssyncset.s32 $0xFFFFF086  }
0x25: {  	[simem:s6], [sflag:s4] =	dma.local [hbm:s3], $0xF7A  }
0x26: {  	[smem:$0x3F8C] =	sst s1;
	(tag) =	ssettag s2;
	_ =	strace s9  }
0x27: {  	s1 =	sld [smem:$0x3F9C]  }
0x28: {  	s2 =	sld [smem:$0x3F9D]  }
0x29: {  	s4 =	sld [smem:$0x3F9F]  }
0x2a: {  	p0 =	seq.s32 s5, $0x0;
	s5 =	sld [smem:$0x3FA0]  }
0x2b: {  	s6 =	sld [smem:$0x3FA1]  }
0x2c: {  	s7 =	sld [smem:$0x3FA2]  }
0x2d: {  	s3 =	simm.s32 $0x108;
	s8 =	sld [smem:$0x3FA3]  }
0x2e: {  	s3 =	simm.s32 @!p0 $0x1082;
	s9 =	sld [smem:$0x3FA4]  }
0x2f: {  	lr =	sadd.s32 s0, s3;
	s0 =	sld [smem:$0x3F9B]  }
0x30: {  	s3 =	sld [smem:$0x3F9E]  }
0x31: {  	[smem:$0x3FA7] =	sst s10  }
0x32: {  	s10 =	sld [smem:$0x3FA5];
	_ =	sdelay $0x3  }
0x33: {  	p0 =	seq.s32 s10, $0x1;
	s10 =	sld [smem:$0x3FA7];
	_ =	sdelay $0x3  }
0x34: {  	[smem:$0x3FA7] =	sst s10  }
0x35: {  	s10 =	sld [smem:$0x3FA6];
	_ =	sdelay $0x3  }
0x36: {  	p1 =	seq.s32 s10, $0x1;
	s10 =	sld [smem:$0x3FA7];
	_ =	sdelay $0x3  }
0x37: {  	[smem:$0x3FA7] =	sst s10  }
0x38: {  	s10 =	sld [smem:$0x3FA8]  }
0x39: {  	_ = 	snop;
	(pc) =	sbr.ind lr, $3  }
0x3a: {  	_ = 	snop  }
0x3b: {  	_ = 	snop  }
0x3c: {  	p2 =	seq.s32 s10, $0x1;
	s10 =	sld [smem:$0x3FA7]  }
0x3d: {  	_ =	shalt  }
0x3e: {  	_ =	shalt  }
0x3f: {  	_ =	shalt  }
0x40: {  	_ =	shalt  }
0x41: {  	_ =	shalt  }
0x42: {  	_ =	shalt  }
0x43: {  	_ =	shalt  }
0x44: {  	_ =	shalt  }
0x45: {  	_ =	shalt  }
0x46: {  	_ =	shalt  }
0x47: {  	_ =	shalt  }
0x48: {  	_ =	shalt  }
0x49: {  	_ =	shalt  }
0x4a: {  	_ =	shalt  }
0x4b: {  	_ =	shalt  }
0x4c: {  	_ =	shalt  }
0x4d: {  	_ =	shalt  }
0x4e: {  	_ =	shalt  }
0x4f: {  	_ =	shalt  }
0x50: {  	_ =	shalt  }
0x51: {  	_ =	shalt  }
0x52: {  	_ =	shalt  }
0x53: {  	_ =	shalt  }
0x54: {  	_ =	shalt  }
0x55: {  	_ =	shalt  }
0x56: {  	_ =	shalt  }
0x57: {  	_ =	shalt  }
0x58: {  	_ =	shalt  }
0x59: {  	_ =	shalt  }
0x5a: {  	_ =	shalt  }
0x5b: {  	_ =	shalt  }
0x5c: {  	_ =	shalt  }
0x5d: {  	_ =	shalt  }
0x5e: {  	_ =	shalt  }
0x5f: {  	_ =	shalt  }
0x60: {  	_ =	shalt  }
0x61: {  	_ =	shalt  }
0x62: {  	_ =	shalt  }
0x63: {  	_ =	shalt  }
0x64: {  	_ =	shalt  }
0x65: {  	_ =	shalt  }
0x66: {  	_ =	shalt  }
0x67: {  	_ =	shalt  }
0x68: {  	_ =	shalt  }
0x69: {  	_ =	shalt  }
0x6a: {  	_ =	shalt  }
0x6b: {  	_ =	shalt  }
0x6c: {  	_ =	shalt  }
0x6d: {  	_ =	shalt  }
0x6e: {  	_ =	shalt  }
0x6f: {  	_ =	shalt  }
0x70: {  	_ =	shalt  }
0x71: {  	_ =	shalt  }
0x72: {  	_ =	shalt  }
0x73: {  	_ =	shalt  }
0x74: {  	_ =	shalt  }
0x75: {  	_ =	shalt  }
0x76: {  	_ =	shalt  }
0x77: {  	_ =	shalt  }
0x78: {  	_ =	shalt  }
0x79: {  	_ =	shalt  }
0x7a: {  	_ =	shalt  }
0x7b: {  	_ =	shalt  }
0x7c: {  	_ =	shalt  }
0x7d: {  	_ =	shalt  }
0x7e: {  	_ =	shalt  }
0x7f: {  	_ =	shalt  }
0x80: {  	_ =	shalt  }
0x81: {  	_ =	shalt  }
0x82: {  	_ =	shalt  }
0x83: {  	_ =	shalt  }
0x84: {  	_ =	shalt  }
0x85: {  	_ =	shalt  }
0x86: {  	_ =	shalt  }
0x87: {  	_ =	shalt  }
.Lfunc_end0:
.L_simem_size_0:
called_computation.2_lowered:
.L_overlay_start_0:
0x88: {  	s2 =	sld [smem:$0x3FD9]  }
0x89: {  	s3 =	sld [smem:$0x3FFE];
	_ =	sdelay $0x1  }
0x8a: {  	s1 =	srdreg.scid  }
0x8b: {  	s0 =	sand.u32 $0x1, s1  }
0x8c: {  	s16 =	sshll.u32 s0, $0xA;
	s2 =	sadd.s32 s3, s2  }
0x8d: {  	s2 =	sadd.s32 s2, s16  }
0x8e: {  	[smem:$0x3FB3] =	sst s2  }
0x8f: {  	_ = 	snop  }
0x90: {  	(tm) =	ssettm $0x1  }
0x91: {  	s17 =	sld [smem:$0x3FFB];
	_ =	sdelay $0x3  }
0x92: {  	_ =	strace s17  }
0x93: {  	s2 =	sld [smem:$0x3FFC];
	_ =	sdelay $0x3  }
0x94: {  	_ =	strace s2  }
0x95: {  	s2 =	sld [smem:$0x3FFD];
	_ =	sdelay $0x3  }
0x96: {  	_ =	strace s2  }
0x97: {  	_ =	strace $0x8FFFFFFF  }
0x98: {  	s18 =	sld [smem:$0x3FDB];
	_ =	sdelay $0x1  }
0x99: {  	s19 =	simm.s32 $_scs_section_size  }
0x9a: {  	s4 =	simm.s32 $_size__tile_overlayer_lowered;
	s5 =	simm.s32 $_tile_overlayer_lowered  }
0x9b: {  	s22 =	simm.s32 $0x1BFF;
	s21 =	sshll.u32 s5, $0x1;
	s2 =	sadd.s32 s19, s18  }
0x9c: {  	s6 =	simm.s32 $0x0;
	s20 =	sshll.u32 s4, $0x1;
	s4 =	sadd.s32 s21, s2  }
0x9d: {  	[timem:s6], [sflag:s22] =	dma.local [hbm:s4], s20  }
0x9e: {  	_ =	swait.ge [sflag:s22], s20  }
0x9f: {  	s3 =	ssub.s32 $0x0, s20;
	[sflag:s22] =	ssyncset.done $0x0  }
0xa0: {  	[sflag:s22] =	ssyncadd.s32 s3;
	_ =	sdelay $0x1  }
0xa1: {  	s23 =	simm.s32 $0x1B8B  }
0xa2: {  	_ =	swait.ge [sflag:s23], $0x1  }
0xa3: {  	[sflag:s23] =	ssyncset.done $0x0  }
0xa4: {  	s25 =	simm.s32 $0x1B8E;
	s24 =	sld [smem:$0x3FFE];
	[sflag:s23] =	ssyncadd.s32 $0xFFFFFFFF  }
0xa5: {  	s26 =	simm.s32 $execute0_lowered;
	[smem:$0x3FD2] =	sst s25  }
0xa6: {  	s4 =	sshll.u32 s26, $0x1;
	_ =	strace $0x8000004C;
	[dreg:$0x1] =	wrdreg $0xFFFFFFFF  }
0xa7: {  	s28 =	simm.s32 $_size_execute0_lowered;
	s2 =	sadd.s32 s2, s4;
	[dreg:$0x0] =	wrdreg $0x0  }
0xa8: {  	s4 =	sshll.u32 s28, $0x1;
	[dreg:$0x2] =	wrdreg s2  }
0xa9: {  	[dreg:$0x3] =	wrdreg s4  }
0xaa: {  	[dreg:$0x4] =	wrdreg $0xC0  }
0xab: {  	_ =	task [dreg:s6], $0x5FFFF  }
0xac: {  	[dreg:$0x1] =	wrdreg $0xFFFFFFFF  }
0xad: {  	[dreg:$0x0] =	wrdreg $0x60  }
0xae: {  	[dreg:$0x2] =	wrdreg s24  }
0xaf: {  	[dreg:$0x3] =	wrdreg $0x0  }
0xb0: {  	[dreg:$0x4] =	wrdreg $0x9  }
0xb1: {  	_ =	task.clear_ibuf [dreg:s6], $0x5FFFF;
	_ =	strace $0x9000004C  }
0xb2: {  	s29 =	simm.s32 $0x9;
	_ =	strace $0x8000004E  }
0xb3: {  	_ =	swait.ge [sflag:s29], $0x1  }
0xb4: {  	[sflag:s29] =	ssyncadd.s32 $0xFFFFFFFF  }
0xb5: {  	_ =	strace $0x9000004E  }
0xb6: {  	_ =	sfence  }
0xb7: {  	s30 =	sld [smem:$0x0];
	_ =	sdelay $0x2  }
0xb8: {  	s31 =	sshll.u32 s1, $0xD;
	s1 =	sshrl.u32 s1, $0x2  }
0xb9: {  	s3 =	sand.u32 $0x4000, s31;
	s1 =	sadd.s32 s1, s30  }
0xba: {  	s0 =	sor.u32 s3, s0;
	s1 =	sshll.u32 s1, $0x11  }
0xbb: {  	s0 =	sor.u32 s1, s0  }
0xbc: {  	s0 =	sadd.s32 $0x8F2B, s0  }
0xbd: {  	[sflag:s0] =	ssyncadd.remote.s32 $0x1  }
0xbe: {  	_ =	sfence.sel $0xFFFF  }
0xbf: {  	[dreg:$0x0] =	wrdreg $0xFFFFFFFF;
	(pc) =	sbr.abs _section_cstart, $3  }
0xc0: {  	[dreg:$0x1] =	wrdreg $0xFFFFFFFF  }
0xc1: {  	_ =	task.clear_ibuf [dreg:s6], $0x2FFFF;
	_ =	strace $0x9FFFFFFF  }
0xc2: {  	(tm) =	ssettm $0x7FFFFFFF  }
0xc3: {  	_ =	shalt  }
tec
execute0_lowered:
.L_overlay_start_1:
0x0: {  	(tag) =	ssettag $0x1  }
0x1: {  	s5 =	rddreg [dreg:$0x0]  }
0x2: {  	s2 =	rddreg [dreg:$0x1]  }
0x3: {  	s0 =	srdreg.scid;
	s1 =	rddreg [dreg:$0x2];
	s3 =	simm.s32 $0x0  }
0x4: {  	s13 =	simm.s32 $0x14000;
	s14 =	simm.s32 $0x14080;
	s6 =	sand.u32 $0x1, s0  }
0x5: {  	s15 =	simm.s32 $0x50;
	s0 =	stileid.u32;
	s4 =	smul.u32 $0x4E200, s6  }
0x6: {  	s16 =	simm.s32 $0x14100;
	s17 =	simm.s32 $0x1;
	s7 =	smul.u32 $0x4E20, s0  }
0x7: {  	s18 =	simm.s32 $0x0;
	[smem:$0x7FF] =	sst s3;
	s8 =	smul.u32 $0x2800, s6  }
0x8: {  	s9 =	smul.u32 $0x280, s0;
	_ =	strace $0x8000004D;
	s6 =	ssub.s32 $0x2, s6  }
0x9: {  	s26 =	smul.u32 $0x50000, s0;
	s31 =	sshll.u32 s0, $0x6;
	s29 =	sshrl.u32 s6, $0x1  }
0xa: {  	s7 =	sadd.s32 s7, s4;
	s4 =	sadd.s32 $0x2800, s5;
	s8 =	sadd.s32 s9, s8  }
0xb: {  	s11 =	ssub.s32 s6, s29;
	s30 =	sshrl.u32 s26, $0x2;
	s6 =	sor.u32 $0x1C02, s31  }
0xc: {  	s7 =	sshrl.u32 s7, $0x3;
	s8 =	sshll.u32 s8, $0x4;
	s12 =	sadd.s32 s30, s2  }
0xd: {  	s10 =	sadd.s32 s7, s5;
	s28 =	sadd.s32 s8, s5;
	s5 =	sadd.s32 s4, s8  }
0xe: {  	s8 =	smax.u32 s11, $0x1;
	s11 =	sshrl.u32 s12, $0x3;
	s12 =	simm.s32 $0x2  }
0xf: {  	s7 =	sadd.s32 $0x7A600, s28;
	s9 =	sadd.s32 $0x66C00, s10;
	s10 =	sadd.s32 $0x53200, s10  }
.LBB2_1:
0x10: {  	[spmem:s11], [sflag:s6] =	dma.local [hbm:s5], $0x2800  }
0x11: {  	_ =	swait.ge [sflag:s12], $0x2800  }
0x12: {  	[sflag:s12] =	ssyncset.done $0x0  }
0x13: {  	[sflag:s12] =	ssyncadd.s32 $0xFFFFD800  }
0x14: {  	s19 =	sadd.s32 $0x0, s10;
	[bflag:$0x0] =	sbarrier.arrive $0xFFFF  }
0x15: {  	[tilespmem:s13], [sflag:$0x2] =	stream.linear.gather [hbm4b:s19+s3], $0x50, $0x38;
	[tilespmem:$0x16900] =	vst v63  }
0x16: {  	_ =	swait.ge [sflag:s12], $0x50  }
0x17: {  	[sflag:s12] =	ssyncset.done $0x0  }
0x18: {  	s31 =	sadd.s32 $0x0, s9;
	[sflag:s12] =	ssyncadd.s32 $0xFFFFFFB0  }
0x19: {  	[tilespmem:s14], [sflag:$0x2] =	stream.linear.gather [hbm4b:s31+s3], $0x50, $0x38;
	[tilespmem:$0x16900] =	vst v63  }
0x1a: {  	_ =	swait.ge [sflag:s12], $0x50  }
0x1b: {  	[sflag:s12] =	ssyncset.done $0x0  }
0x1c: {  	[sflag:s12] =	ssyncadd.s32 $0xFFFFFFB0  }
0x1d: {  	[tilespmem:s16], [sflag:$0x1] =	stream.indirect.gather [hbm4b:s4+s15], $0x80, s13, s15, $0xb8;
	[tilespmem:$0x16900] =	vst v63  }
0x1e: {  	_ =	swait.ge [sflag:s17], $0x2800  }
0x1f: {  	[sflag:s17] =	ssyncset.done $0x0  }
0x20: {  	[sflag:s17] =	ssyncadd.s32 $0xFFFFD800  }
0x21: {  	[spmem:s2] =	stream.indirect.scatter.add.f32 [tilespmem:s16], [sflag:$0x2], $0x80, s14, s15, $0xb8;
	[tilespmem:$0x16900] =	vst v63  }
0x22: {  	_ =	swait.ge [sflag:s12], $0x2800  }
0x23: {  	s20 =	simm.s32 $0x14;
	s19 =	simm.s32 $0xA;
	[sflag:s12] =	ssyncset.done $0x0  }
.LBB2_2:
0x24: {  	s21 =	sadd.s32 s19, s10  }
0x25: {  	[sflag:s12] =	ssyncadd.s32 $0xFFFFD800;
	s22 =	smov.u32 s20;
	s23 =	sadd.s32 $0xA, s20  }
0x26: {  	[tilespmem:s13], [sflag:$0x2] =	stream.linear.gather [hbm4b:s21+s3], $0x50, $0x38;
	[tilespmem:$0x16900] =	vst v63  }
0x27: {  	p0 =	sne.s32 s20, $0x9BA;
	_ =	swait.ge [sflag:s12], $0x50  }
0x28: {  	[sflag:s12] =	ssyncset.done $0x0  }
0x29: {  	s20 =	sadd.s32 s19, s9;
	s19 =	smov.u32 s22;
	[sflag:s12] =	ssyncadd.s32 $0xFFFFFFB0  }
0x2a: {  	[tilespmem:s14], [sflag:$0x2] =	stream.linear.gather [hbm4b:s20+s3], $0x50, $0x38;
	[tilespmem:$0x16900] =	vst v63  }
0x2b: {  	_ =	swait.ge [sflag:s12], $0x50  }
0x2c: {  	[sflag:s12] =	ssyncset.done $0x0  }
0x2d: {  	[sflag:s12] =	ssyncadd.s32 $0xFFFFFFB0  }
0x2e: {  	[tilespmem:s16], [sflag:$0x1] =	stream.indirect.gather [hbm4b:s4+s15], $0x80, s13, s15, $0xb8;
	[tilespmem:$0x16900] =	vst v63  }
0x2f: {  	_ =	swait.ge [sflag:s17], $0x2800  }
.Ltmp0:
0x30: {  	[sflag:s17] =	ssyncset.done $0x0;
	(pc) =	sbr.rel @p0 .LBB2_2-.Ltmp0, $4  }
0x31: {  	[sflag:s17] =	ssyncadd.s32 $0xFFFFD800  }
0x32: {  	[spmem:s2] =	stream.indirect.scatter.add.f32 [tilespmem:s16], [sflag:$0x2], $0x80, s14, s15, $0xb8;
	[tilespmem:$0x16900] =	vst v63  }
0x33: {  	_ =	swait.ge [sflag:s12], $0x2800  }
0x34: {  	s20 =	smov.u32 s23;
	[sflag:s12] =	ssyncset.done $0x0  }
0x35: {  	s20 =	sadd.s32 s19, s10;
	[sflag:s12] =	ssyncadd.s32 $0xFFFFD800  }
0x36: {  	[tilespmem:s13], [sflag:$0x2] =	stream.linear.gather [hbm4b:s20+s3], $0x50, $0x38;
	[tilespmem:$0x16900] =	vst v63  }
0x37: {  	_ =	swait.ge [sflag:s12], $0x50  }
0x38: {  	[sflag:s12] =	ssyncset.done $0x0  }
0x39: {  	s31 =	sadd.s32 s19, s9;
	[sflag:s12] =	ssyncadd.s32 $0xFFFFFFB0  }
0x3a: {  	[tilespmem:s14], [sflag:$0x2] =	stream.linear.gather [hbm4b:s31+s3], $0x50, $0x38;
	[tilespmem:$0x16900] =	vst v63  }
0x3b: {  	_ =	swait.ge [sflag:s12], $0x50  }
0x3c: {  	[sflag:s12] =	ssyncset.done $0x0  }
0x3d: {  	[sflag:s12] =	ssyncadd.s32 $0xFFFFFFB0  }
0x3e: {  	[tilespmem:s16], [sflag:$0x1] =	stream.indirect.gather [hbm4b:s4+s15], $0x80, s13, s15, $0xb8;
	[tilespmem:$0x16900] =	vst v63  }
0x3f: {  	_ =	swait.ge [sflag:s17], $0x2800  }
0x40: {  	[sflag:s17] =	ssyncset.done $0x0  }
0x41: {  	[sflag:s17] =	ssyncadd.s32 $0xFFFFD800  }
0x42: {  	[spmem:s2] =	stream.indirect.scatter.add.f32 [tilespmem:s16], [sflag:$0x2], $0x80, s14, s15, $0xb8;
	[tilespmem:$0x16900] =	vst v63  }
0x43: {  	_ =	swait.ge [sflag:s12], $0x2800  }
0x44: {  	s18 =	sadd.s32 $0x1, s18;
	[sflag:s12] =	ssyncset.done $0x0  }
0x45: {  	p0 =	sne.s32 s18, s8;
	[sflag:s12] =	ssyncadd.s32 $0xFFFFD800  }
.Ltmp1:
0x46: {  	[bflag:$0x0] =	sbarrier.arrive $0xFFFF;
	(pc) =	sbr.rel @p0 .LBB2_1-.Ltmp1, $4  }
0x47: {  	[hbm:s7], [sflag:s6] =	dma.local [spmem:s11], $0x2800  }
0x48: {  	_ =	swait.ge [sflag:s12], $0x2800  }
0x49: {  	[sflag:s12] =	ssyncset.done $0x0  }
0x4a: {  	[sflag:s12] =	ssyncadd.s32 $0xFFFFD800  }
0x4b: {  	_ =	sfence.sel $0x180000  }
0x4c: {  	[bflag:$0x0] =	sbarrier.arrive $0xFFFF  }
0x4d: {  	p0 =	sne.s32 s0, $0x0;
	_ =	strace $0x9000004D  }
0x4e: {  	s0 =	sadd.s32 @!p0 $0x100000, s1;
	[bflag:$0x2] =	sbarrier.arrive $0xFFFF  }
0x4f: {  	[sflag:s0] =	ssyncadd.tile.s32 @!p0 $0x1;
	_ =	shalt  }
.Lfunc_end2:
_tile_overlayer_lowered:
.L_overlay_start_2:
0x50: {  	(tag) =	ssettag $0x2  }
0x51: {  	s0 =	rddreg [dreg:$0x0];
	s2 =	stileid.u32  }
0x52: {  	s1 =	rddreg [dreg:$0x1];
	p0 =	sne.s32 s2, $0x0  }
0x53: {  	s3 =	rddreg [dreg:$0x2];
	[bflag:$0x3] =	sbarrier.arrive $0xFFFF;
	s2 =	simm.s32 @!p0 $0x1C02  }
0x54: {  	[timem:s3], [sflag:s2] =	dma.local @!p0 [hbm:s0], s1  }
0x55: {  	s0 =	simm.s32 @!p0 $0x2  }
0x56: {  	_ =	swait.ge @!p0 [sflag:s0], s1  }
0x57: {  	s1 =	ssub.s32 @!p0 $0x0, s1;
	[sflag:s0] =	ssyncset.done @!p0 $0x0  }
0x58: {  	[sflag:s0] =	ssyncadd.s32 @!p0 s1  }
0x59: {  	[bflag:$0x3] =	sbarrier.arrive $0xFFFF  }
0x5a: {  	_ =	shalt  }

// kernel: kernel.8.cloned.1.call-start
scs
__scs_entry_jumppad:
0x0: {  	(pc) =	sbr.rel $0x88, $3  }
0x1: {  	(tag) =	ssettag $0x0;
	lr =	simm.s32 $0x1  }
0x2: {  	[smem:$0x3F8C] =	sst lr;
	_ =	strace $0xD0000000  }
0x3: {  	_ = 	snop  }
0x4: {  	_ = 	snop  }
0x5: {  	_ = 	snop  }
0x6: {  	_ = 	snop  }
0x7: {  	_ = 	snop  }
__scs_overlays_trampoline_lowered:
0x8: {  	[smem:$0x3F9B] =	sst s0  }
0x9: {  	[smem:$0x3F9C] =	sst s1  }
0xa: {  	[smem:$0x3F9D] =	sst s2  }
0xb: {  	[smem:$0x3F9E] =	sst s3  }
0xc: {  	[smem:$0x3F9F] =	sst s4  }
0xd: {  	[smem:$0x3FA0] =	sst s5  }
0xe: {  	[smem:$0x3FA1] =	sst s6  }
0xf: {  	[smem:$0x3FA2] =	sst s7  }
0x10: {  	[smem:$0x3FA3] =	sst s8  }
0x11: {  	[smem:$0x3FA4] =	sst s9;
	s0 =	simm.s32 @!p0 $0x0  }
0x12: {  	s1 =	sld [smem:$0x3F8A];
	s0 =	simm.s32 @p0 $0x1  }
0x13: {  	[smem:$0x3FA5] =	sst s0;
	s0 =	simm.s32 @!p1 $0x0  }
0x14: {  	s2 =	sld [smem:$0x3F89];
	s0 =	simm.s32 @p1 $0x1  }
0x15: {  	[smem:$0x3FA6] =	sst s0;
	s0 =	simm.s32 @!p2 $0x0  }
0x16: {  	s3 =	sld [smem:$0x3FDB];
	s0 =	simm.s32 @p2 $0x1  }
0x17: {  	s4 =	simm.s32 $0x1BF5;
	[smem:$0x3FA8] =	sst s0  }
0x18: {  	s0 =	sld [smem:$0x3F8B];
	_ =	swait.ge [sflag:s4], $0x0  }
0x19: {  	s7 =	sld [smem:$0x3F8C]  }
0x1a: {  	s8 =	sadd.s32 $0xFFFFE003, lr  }
0x1b: {  	s9 =	sadd.s32 $0xFFFFFEF7, lr;
	s5 =	simm.s32 $0xFFFFFFFF;
	p2 =	slt.u32 s8, $0xFFFFF086  }
0x1c: {  	p1 =	slt.u32 s9, $0xF7A;
	s5 =	simm.s32 @!p2 $0x0  }
0x1d: {  	s5 =	simm.s32 @p1 $0x1;
	p0 =	seq.s32 s7, s2  }
0x1e: {  	s7 =	smul.u32 @!p0 $0xF7A, s2;
	p2 =	seq.s32 @!p0 s5, $0x0  }
0x1f: {  	s9 =	smul.u32 $0xF7A, s1;
	s8 =	simm.s32 @!p0 $0x1BF5;
	p2 =	por !p2, p0  }
0x20: {  	[sflag:s8] =	ssyncset.s32 @!p0 $0xFFFFF086;
	s6 =	sadd.s32 @!p0 s3, s7;
	s7 =	simm.s32 @!p0 $0x108  }
0x21: {  	s3 =	sadd.s32 s3, s9;
	s6 =	sadd.s32 @!p0 $0x88, s6;
	s7 =	simm.s32 @p2 $0x1082  }
0x22: {  	[simem:s7], [sflag:s8] =	dma.local @!p0 [hbm:s6], $0xF7A  }
0x23: {  	s9 =	sor.u32 $0xD0000000, s2;
	s6 =	simm.s32 $0x108;
	_ =	swait.ge @!p0 [sflag:s8], $0x0  }
0x24: {  	s3 =	sadd.s32 $0x88, s3;
	s6 =	simm.s32 @!p1 $0x1082;
	[sflag:s4] =	ssyncset.s32 $0xFFFFF086  }
0x25: {  	[simem:s6], [sflag:s4] =	dma.local [hbm:s3], $0xF7A  }
0x26: {  	[smem:$0x3F8C] =	sst s1;
	(tag) =	ssettag s2;
	_ =	strace s9  }
0x27: {  	s1 =	sld [smem:$0x3F9C]  }
0x28: {  	s2 =	sld [smem:$0x3F9D]  }
0x29: {  	s4 =	sld [smem:$0x3F9F]  }
0x2a: {  	p0 =	seq.s32 s5, $0x0;
	s5 =	sld [smem:$0x3FA0]  }
0x2b: {  	s6 =	sld [smem:$0x3FA1]  }
0x2c: {  	s7 =	sld [smem:$0x3FA2]  }
0x2d: {  	s3 =	simm.s32 $0x108;
	s8 =	sld [smem:$0x3FA3]  }
0x2e: {  	s3 =	simm.s32 @!p0 $0x1082;
	s9 =	sld [smem:$0x3FA4]  }
0x2f: {  	lr =	sadd.s32 s0, s3;
	s0 =	sld [smem:$0x3F9B]  }
0x30: {  	s3 =	sld [smem:$0x3F9E]  }
0x31: {  	[smem:$0x3FA7] =	sst s10  }
0x32: {  	s10 =	sld [smem:$0x3FA5];
	_ =	sdelay $0x3  }
0x33: {  	p0 =	seq.s32 s10, $0x1;
	s10 =	sld [smem:$0x3FA7];
	_ =	sdelay $0x3  }
0x34: {  	[smem:$0x3FA7] =	sst s10  }
0x35: {  	s10 =	sld [smem:$0x3FA6];
	_ =	sdelay $0x3  }
0x36: {  	p1 =	seq.s32 s10, $0x1;
	s10 =	sld [smem:$0x3FA7];
	_ =	sdelay $0x3  }
0x37: {  	[smem:$0x3FA7] =	sst s10  }
0x38: {  	s10 =	sld [smem:$0x3FA8]  }
0x39: {  	_ = 	snop;
	(pc) =	sbr.ind lr, $3  }
0x3a: {  	_ = 	snop  }
0x3b: {  	_ = 	snop  }
0x3c: {  	p2 =	seq.s32 s10, $0x1;
	s10 =	sld [smem:$0x3FA7]  }
0x3d: {  	_ =	shalt  }
0x3e: {  	_ =	shalt  }
0x3f: {  	_ =	shalt  }
0x40: {  	_ =	shalt  }
0x41: {  	_ =	shalt  }
0x42: {  	_ =	shalt  }
0x43: {  	_ =	shalt  }
0x44: {  	_ =	shalt  }
0x45: {  	_ =	shalt  }
0x46: {  	_ =	shalt  }
0x47: {  	_ =	shalt  }
0x48: {  	_ =	shalt  }
0x49: {  	_ =	shalt  }
0x4a: {  	_ =	shalt  }
0x4b: {  	_ =	shalt  }
0x4c: {  	_ =	shalt  }
0x4d: {  	_ =	shalt  }
0x4e: {  	_ =	shalt  }
0x4f: {  	_ =	shalt  }
0x50: {  	_ =	shalt  }
0x51: {  	_ =	shalt  }
0x52: {  	_ =	shalt  }
0x53: {  	_ =	shalt  }
0x54: {  	_ =	shalt  }
0x55: {  	_ =	shalt  }
0x56: {  	_ =	shalt  }
0x57: {  	_ =	shalt  }
0x58: {  	_ =	shalt  }
0x59: {  	_ =	shalt  }
0x5a: {  	_ =	shalt  }
0x5b: {  	_ =	shalt  }
0x5c: {  	_ =	shalt  }
0x5d: {  	_ =	shalt  }
0x5e: {  	_ =	shalt  }
0x5f: {  	_ =	shalt  }
0x60: {  	_ =	shalt  }
0x61: {  	_ =	shalt  }
0x62: {  	_ =	shalt  }
0x63: {  	_ =	shalt  }
0x64: {  	_ =	shalt  }
0x65: {  	_ =	shalt  }
0x66: {  	_ =	shalt  }
0x67: {  	_ =	shalt  }
0x68: {  	_ =	shalt  }
0x69: {  	_ =	shalt  }
0x6a: {  	_ =	shalt  }
0x6b: {  	_ =	shalt  }
0x6c: {  	_ =	shalt  }
0x6d: {  	_ =	shalt  }
0x6e: {  	_ =	shalt  }
0x6f: {  	_ =	shalt  }
0x70: {  	_ =	shalt  }
0x71: {  	_ =	shalt  }
0x72: {  	_ =	shalt  }
0x73: {  	_ =	shalt  }
0x74: {  	_ =	shalt  }
0x75: {  	_ =	shalt  }
0x76: {  	_ =	shalt  }
0x77: {  	_ =	shalt  }
0x78: {  	_ =	shalt  }
0x79: {  	_ =	shalt  }
0x7a: {  	_ =	shalt  }
0x7b: {  	_ =	shalt  }
0x7c: {  	_ =	shalt  }
0x7d: {  	_ =	shalt  }
0x7e: {  	_ =	shalt  }
0x7f: {  	_ =	shalt  }
0x80: {  	_ =	shalt  }
0x81: {  	_ =	shalt  }
0x82: {  	_ =	shalt  }
0x83: {  	_ =	shalt  }
0x84: {  	_ =	shalt  }
0x85: {  	_ =	shalt  }
0x86: {  	_ =	shalt  }
0x87: {  	_ =	shalt  }
.Lfunc_end0:
.L_simem_size_0:
called_computation_lowered:
.L_overlay_start_0:
0x88: {  	s2 =	sld [smem:$0x3FD9]  }
0x89: {  	s3 =	sld [smem:$0x3FFE];
	_ =	sdelay $0x1  }
0x8a: {  	s1 =	srdreg.scid  }
0x8b: {  	s0 =	sand.u32 $0x1, s1  }
0x8c: {  	s17 =	sshll.u32 s0, $0xA;
	s2 =	sadd.s32 s3, s2  }
0x8d: {  	s2 =	sadd.s32 s2, s17  }
0x8e: {  	[smem:$0x3FB3] =	sst s2  }
0x8f: {  	_ = 	snop  }
0x90: {  	s2 =	sld [smem:$0x3FC3];
	(tm) =	ssettm $0x1  }
0x91: {  	s18 =	sld [smem:$0x3FFB];
	_ =	sdelay $0x3  }
0x92: {  	_ =	strace s18  }
0x93: {  	s3 =	sld [smem:$0x3FFC];
	_ =	sdelay $0x3  }
0x94: {  	_ =	strace s3  }
0x95: {  	s3 =	sld [smem:$0x3FFD];
	_ =	sdelay $0x3  }
0x96: {  	_ =	strace s3  }
0x97: {  	_ =	strace $0x8FFFFFFF  }
0x98: {  	s19 =	sld [smem:$0x3FDB];
	_ =	sdelay $0x1  }
0x99: {  	s4 =	simm.s32 $_scs_section_size  }
0x9a: {  	s5 =	simm.s32 $_size__tile_overlayer_lowered;
	s6 =	simm.s32 $_tile_overlayer_lowered  }
0x9b: {  	s22 =	simm.s32 $0x1BFF;
	s21 =	sshll.u32 s6, $0x1;
	s3 =	sadd.s32 s4, s19  }
0x9c: {  	s7 =	simm.s32 $0x0;
	s20 =	sshll.u32 s5, $0x1;
	s5 =	sadd.s32 s21, s3  }
0x9d: {  	[timem:s7], [sflag:s22] =	dma.local [hbm:s5], s20  }
0x9e: {  	_ =	swait.ge [sflag:s22], s20  }
0x9f: {  	s4 =	ssub.s32 $0x0, s20;
	[sflag:s22] =	ssyncset.done $0x0  }
0xa0: {  	[sflag:s22] =	ssyncadd.s32 s4;
	_ =	sdelay $0x1  }
0xa1: {  	s23 =	simm.s32 $0x1B8B  }
0xa2: {  	_ =	swait.ge [sflag:s23], $0x1  }
0xa3: {  	[sflag:s23] =	ssyncset.done $0x0  }
0xa4: {  	s25 =	simm.s32 $0x1B8E;
	s24 =	sld [smem:$0x3FFE];
	[sflag:s23] =	ssyncadd.s32 $0xFFFFFFFF  }
0xa5: {  	s26 =	simm.s32 $execute0_lowered;
	[smem:$0x3FD2] =	sst s25  }
0xa6: {  	s5 =	sshll.u32 s26, $0x1;
	_ =	strace $0x80000046;
	[dreg:$0x1] =	wrdreg $0xFFFFFFFF  }
0xa7: {  	s28 =	simm.s32 $_size_execute0_lowered;
	s3 =	sadd.s32 s3, s5;
	[dreg:$0x0] =	wrdreg $0x0  }
0xa8: {  	s5 =	sshll.u32 s28, $0x1;
	[dreg:$0x2] =	wrdreg s3  }
0xa9: {  	[dreg:$0x3] =	wrdreg s5  }
0xaa: {  	[dreg:$0x4] =	wrdreg $0xC0  }
0xab: {  	_ =	task [dreg:s7], $0x5FFFF  }
0xac: {  	[dreg:$0x1] =	wrdreg $0xFFFFFFFF  }
0xad: {  	[dreg:$0x0] =	wrdreg $0x60  }
0xae: {  	[dreg:$0x2] =	wrdreg s24  }
0xaf: {  	[dreg:$0x3] =	wrdreg s2  }
0xb0: {  	[dreg:$0x4] =	wrdreg $0x9  }
0xb1: {  	_ =	task.clear_ibuf [dreg:s7], $0x5FFFF;
	_ =	strace $0x90000046  }
0xb2: {  	s29 =	simm.s32 $0x9;
	_ =	strace $0x80000048  }
0xb3: {  	_ =	swait.ge [sflag:s29], $0x1  }
0xb4: {  	[sflag:s29] =	ssyncadd.s32 $0xFFFFFFFF  }
0xb5: {  	_ =	strace $0x90000048  }
0xb6: {  	_ =	sfence  }
0xb7: {  	s30 =	sld [smem:$0x0];
	_ =	sdelay $0x2  }
0xb8: {  	s31 =	sshll.u32 s1, $0xD;
	s1 =	sshrl.u32 s1, $0x2  }
0xb9: {  	s3 =	sand.u32 $0x4000, s31;
	s1 =	sadd.s32 s1, s30  }
0xba: {  	s0 =	sor.u32 s3, s0;
	s1 =	sshll.u32 s1, $0x11  }
0xbb: {  	s0 =	sor.u32 s1, s0  }
0xbc: {  	s0 =	sadd.s32 $0x8F2B, s0  }
0xbd: {  	[sflag:s0] =	ssyncadd.remote.s32 $0x1  }
0xbe: {  	_ =	sfence.sel $0xFFFF  }
0xbf: {  	[dreg:$0x0] =	wrdreg $0xFFFFFFFF;
	(pc) =	sbr.abs _section_cstart, $3  }
0xc0: {  	[dreg:$0x1] =	wrdreg $0xFFFFFFFF  }
0xc1: {  	_ =	task.clear_ibuf [dreg:s7], $0x2FFFF;
	_ =	strace $0x9FFFFFFF  }
0xc2: {  	(tm) =	ssettm $0x7FFFFFFF  }
0xc3: {  	_ =	shalt  }
tec
execute0_lowered:
.L_overlay_start_1:
0x0: {  	(tag) =	ssettag $0x1  }
0x1: {  	s1 =	srdreg.scid;
	s0 =	stileid.u32  }
0x2: {  	s16 =	sand.u32 $0x1, s1;
	s26 =	sshll.u32 s0, $0x1  }
0x3: {  	s8 =	rddreg [dreg:$0x0];
	s9 =	sor.u32 s16, s26  }
0x4: {  	s2 =	rddreg [dreg:$0x1];
	s17 =	smul.u32 $0x280, s9  }
0x5: {  	s3 =	simm.s32 $0x0;
	s1 =	rddreg [dreg:$0x2]  }
0x6: {  	[smem:$0x7FF] =	sst s3;
	s15 =	sadd.s32 $0x2800, s8;
	s4 =	sshrl.u32 s17, $0x3  }
0x7: {  	_ =	strace $0x80000047;
	s5 =	sadd.s32 s15, s4;
	s4 =	simm.s32 $0x2  }
0x8: {  	[tilespmem:s3], [sflag:$0x2] =	stream.linear.gather [hbm4b:s5+s3], $0x80, $0x38;
	[tilespmem:$0x4080] =	vst v63  }
0x9: {  	_ =	swait.ge [sflag:s4], $0x80  }
0xa: {  	[sflag:s4] =	ssyncset.done $0x0  }
0xb: {  	s6 =	simm.s32 $0x80;
	s7 =	simm.s32 $0x1;
	[sflag:s4] =	ssyncadd.s32 $0xFFFFFF80  }
0xc: {  	[tilespmem:s6], [sflag:$0x1] =	stream.indirect.gather [hbm4b:s2+s6], $0x80, s3, s6, $0xb8;
	[tilespmem:$0x4080] =	vst v63  }
0xd: {  	s9 =	smul.u32 $0x2800, s9;
	_ =	swait.ge [sflag:s7], $0x4000  }
0xe: {  	s18 =	sadd.s32 $0x3200, s8;
	[sflag:s7] =	ssyncset.done $0x0  }
0xf: {  	s8 =	sadd.s32 s18, s9;
	[sflag:s7] =	ssyncadd.s32 $0xFFFFC000  }
0x10: {  	[hbm4b:s8+s3] =	stream.linear.scatter [tilespmem:s6], [sflag:$0x2], $0x4000, $0x38;
	[tilespmem:$0x4080] =	vst v63  }
0x11: {  	s10 =	sadd.s32 $0x80, s17;
	_ =	swait.ge [sflag:s4], $0x4000  }
0x12: {  	s28 =	sshrl.u32 s10, $0x3;
	[sflag:s4] =	ssyncset.done $0x0  }
0x13: {  	s9 =	sadd.s32 s15, s28;
	[sflag:s4] =	ssyncadd.s32 $0xFFFFC000  }
0x14: {  	[tilespmem:s3], [sflag:$0x2] =	stream.linear.gather [hbm4b:s9+s3], $0x80, $0x38;
	[tilespmem:$0x4080] =	vst v63  }
0x15: {  	_ =	swait.ge [sflag:s4], $0x80  }
0x16: {  	[sflag:s4] =	ssyncset.done $0x0  }
0x17: {  	[sflag:s4] =	ssyncadd.s32 $0xFFFFFF80  }
0x18: {  	[tilespmem:s6], [sflag:$0x1] =	stream.indirect.gather [hbm4b:s2+s6], $0x80, s3, s6, $0xb8;
	[tilespmem:$0x4080] =	vst v63  }
0x19: {  	_ =	swait.ge [sflag:s7], $0x4000  }
0x1a: {  	s10 =	sshll.u32 s10, $0x4;
	[sflag:s7] =	ssyncset.done $0x0  }
0x1b: {  	s10 =	sadd.s32 s18, s10;
	[sflag:s7] =	ssyncadd.s32 $0xFFFFC000  }
0x1c: {  	[hbm4b:s10+s3] =	stream.linear.scatter [tilespmem:s6], [sflag:$0x2], $0x4000, $0x38;
	[tilespmem:$0x4080] =	vst v63  }
0x1d: {  	s12 =	sadd.s32 $0x100, s17;
	_ =	swait.ge [sflag:s4], $0x4000  }
0x1e: {  	s11 =	sshrl.u32 s12, $0x3;
	[sflag:s4] =	ssyncset.done $0x0  }
0x1f: {  	s11 =	sadd.s32 s15, s11;
	[sflag:s4] =	ssyncadd.s32 $0xFFFFC000  }
0x20: {  	[tilespmem:s3], [sflag:$0x2] =	stream.linear.gather [hbm4b:s11+s3], $0x80, $0x38;
	[tilespmem:$0x4080] =	vst v63  }
0x21: {  	_ =	swait.ge [sflag:s4], $0x80  }
0x22: {  	[sflag:s4] =	ssyncset.done $0x0  }
0x23: {  	[sflag:s4] =	ssyncadd.s32 $0xFFFFFF80  }
0x24: {  	[tilespmem:s6], [sflag:$0x1] =	stream.indirect.gather [hbm4b:s2+s6], $0x80, s3, s6, $0xb8;
	[tilespmem:$0x4080] =	vst v63  }
0x25: {  	_ =	swait.ge [sflag:s7], $0x4000  }
0x26: {  	s12 =	sshll.u32 s12, $0x4;
	[sflag:s7] =	ssyncset.done $0x0  }
0x27: {  	s12 =	sadd.s32 s18, s12;
	[sflag:s7] =	ssyncadd.s32 $0xFFFFC000  }
0x28: {  	[hbm4b:s12+s3] =	stream.linear.scatter [tilespmem:s6], [sflag:$0x2], $0x4000, $0x38;
	[tilespmem:$0x4080] =	vst v63  }
0x29: {  	s14 =	sadd.s32 $0x180, s17;
	_ =	swait.ge [sflag:s4], $0x4000  }
0x2a: {  	s13 =	sshrl.u32 s14, $0x3;
	[sflag:s4] =	ssyncset.done $0x0  }
0x2b: {  	s13 =	sadd.s32 s15, s13;
	[sflag:s4] =	ssyncadd.s32 $0xFFFFC000  }
0x2c: {  	[tilespmem:s3], [sflag:$0x2] =	stream.linear.gather [hbm4b:s13+s3], $0x80, $0x38;
	[tilespmem:$0x4080] =	vst v63  }
0x2d: {  	_ =	swait.ge [sflag:s4], $0x80  }
0x2e: {  	[sflag:s4] =	ssyncset.done $0x0  }
0x2f: {  	[sflag:s4] =	ssyncadd.s32 $0xFFFFFF80  }
0x30: {  	[tilespmem:s6], [sflag:$0x1] =	stream.indirect.gather [hbm4b:s2+s6], $0x80, s3, s6, $0xb8;
	[tilespmem:$0x4080] =	vst v63  }
0x31: {  	_ =	swait.ge [sflag:s7], $0x4000  }
0x32: {  	s14 =	sshll.u32 s14, $0x4;
	[sflag:s7] =	ssyncset.done $0x0  }
0x33: {  	s14 =	sadd.s32 s18, s14;
	[sflag:s7] =	ssyncadd.s32 $0xFFFFC000  }
0x34: {  	[hbm4b:s14+s3] =	stream.linear.scatter [tilespmem:s6], [sflag:$0x2], $0x4000, $0x38;
	[tilespmem:$0x4080] =	vst v63  }
0x35: {  	s17 =	sadd.s32 $0x200, s17;
	_ =	swait.ge [sflag:s4], $0x4000  }
0x36: {  	s19 =	sshrl.u32 s17, $0x3;
	[sflag:s4] =	ssyncset.done $0x0  }
0x37: {  	s16 =	ssub.s32 $0x2, s16;
	s15 =	sadd.s32 s15, s19;
	[sflag:s4] =	ssyncadd.s32 $0xFFFFC000  }
0x38: {  	[tilespmem:s3], [sflag:$0x2] =	stream.linear.gather [hbm4b:s15+s3], $0x80, $0x38;
	[tilespmem:$0x4080] =	vst v63  }
0x39: {  	s29 =	sshrl.u32 s16, $0x1;
	_ =	swait.ge [sflag:s4], $0x80  }
0x3a: {  	s19 =	ssub.s32 s16, s29;
	[sflag:s4] =	ssyncset.done $0x0  }
0x3b: {  	s31 =	smax.u32 s19, $0x1;
	[sflag:s4] =	ssyncadd.s32 $0xFFFFFF80  }
0x3c: {  	[tilespmem:s6], [sflag:$0x1] =	stream.indirect.gather [hbm4b:s2+s6], $0x80, s3, s6, $0xb8;
	[tilespmem:$0x4080] =	vst v63  }
0x3d: {  	p0 =	sne.s32 s31, $0x1;
	_ =	swait.ge [sflag:s7], $0x4000  }
.Ltmp0:
0x3e: {  	s30 =	sshll.u32 s17, $0x4;
	[sflag:s7] =	ssyncset.done $0x0;
	(pc) =	sbr.rel @!p0 .LBB2_2-.Ltmp0, $4  }
0x3f: {  	s16 =	sadd.s32 s18, s30;
	[sflag:s7] =	ssyncadd.s32 $0xFFFFC000  }
0x40: {  	[hbm4b:s16+s3] =	stream.linear.scatter [tilespmem:s6], [sflag:$0x2], $0x4000, $0x38;
	[tilespmem:$0x4080] =	vst v63  }
0x41: {  	_ =	swait.ge [sflag:s4], $0x4000  }
0x42: {  	s17 =	sadd.s32 $0xFFFFFFFF, s31;
	[sflag:s4] =	ssyncset.done $0x0  }
.LBB2_1:
0x43: {  	p0 =	sne.s32 s17, $0x1;
	s17 =	sadd.s32 $0xFFFFFFFF, s17;
	[sflag:s4] =	ssyncadd.s32 $0xFFFFC000  }
0x44: {  	[tilespmem:s3], [sflag:$0x2] =	stream.linear.gather [hbm4b:s5+s3], $0x80, $0x38;
	[tilespmem:$0x4080] =	vst v63  }
0x45: {  	_ =	swait.ge [sflag:s4], $0x80  }
0x46: {  	[sflag:s4] =	ssyncset.done $0x0  }
0x47: {  	[sflag:s4] =	ssyncadd.s32 $0xFFFFFF80  }
0x48: {  	[tilespmem:s6], [sflag:$0x1] =	stream.indirect.gather [hbm4b:s2+s6], $0x80, s3, s6, $0xb8;
	[tilespmem:$0x4080] =	vst v63  }
0x49: {  	_ =	swait.ge [sflag:s7], $0x4000  }
0x4a: {  	[sflag:s7] =	ssyncset.done $0x0  }
0x4b: {  	[sflag:s7] =	ssyncadd.s32 $0xFFFFC000  }
0x4c: {  	[hbm4b:s8+s3] =	stream.linear.scatter [tilespmem:s6], [sflag:$0x2], $0x4000, $0x38;
	[tilespmem:$0x4080] =	vst v63  }
0x4d: {  	_ =	swait.ge [sflag:s4], $0x4000  }
0x4e: {  	[sflag:s4] =	ssyncset.done $0x0  }
0x4f: {  	[sflag:s4] =	ssyncadd.s32 $0xFFFFC000  }
0x50: {  	[tilespmem:s3], [sflag:$0x2] =	stream.linear.gather [hbm4b:s9+s3], $0x80, $0x38;
	[tilespmem:$0x4080] =	vst v63  }
0x51: {  	_ =	swait.ge [sflag:s4], $0x80  }
0x52: {  	[sflag:s4] =	ssyncset.done $0x0  }
0x53: {  	[sflag:s4] =	ssyncadd.s32 $0xFFFFFF80  }
0x54: {  	[tilespmem:s6], [sflag:$0x1] =	stream.indirect.gather [hbm4b:s2+s6], $0x80, s3, s6, $0xb8;
	[tilespmem:$0x4080] =	vst v63  }
0x55: {  	_ =	swait.ge [sflag:s7], $0x4000  }
0x56: {  	[sflag:s7] =	ssyncset.done $0x0  }
0x57: {  	[sflag:s7] =	ssyncadd.s32 $0xFFFFC000  }
0x58: {  	[hbm4b:s10+s3] =	stream.linear.scatter [tilespmem:s6], [sflag:$0x2], $0x4000, $0x38;
	[tilespmem:$0x4080] =	vst v63  }
0x59: {  	_ =	swait.ge [sflag:s4], $0x4000  }
0x5a: {  	[sflag:s4] =	ssyncset.done $0x0  }
0x5b: {  	[sflag:s4] =	ssyncadd.s32 $0xFFFFC000  }
0x5c: {  	[tilespmem:s3], [sflag:$0x2] =	stream.linear.gather [hbm4b:s11+s3], $0x80, $0x38;
	[tilespmem:$0x4080] =	vst v63  }
0x5d: {  	_ =	swait.ge [sflag:s4], $0x80  }
0x5e: {  	[sflag:s4] =	ssyncset.done $0x0  }
0x5f: {  	[sflag:s4] =	ssyncadd.s32 $0xFFFFFF80  }
0x60: {  	[tilespmem:s6], [sflag:$0x1] =	stream.indirect.gather [hbm4b:s2+s6], $0x80, s3, s6, $0xb8;
	[tilespmem:$0x4080] =	vst v63  }
0x61: {  	_ =	swait.ge [sflag:s7], $0x4000  }
0x62: {  	[sflag:s7] =	ssyncset.done $0x0  }
0x63: {  	[sflag:s7] =	ssyncadd.s32 $0xFFFFC000  }
0x64: {  	[hbm4b:s12+s3] =	stream.linear.scatter [tilespmem:s6], [sflag:$0x2], $0x4000, $0x38;
	[tilespmem:$0x4080] =	vst v63  }
0x65: {  	_ =	swait.ge [sflag:s4], $0x4000  }
0x66: {  	[sflag:s4] =	ssyncset.done $0x0  }
0x67: {  	[sflag:s4] =	ssyncadd.s32 $0xFFFFC000  }
0x68: {  	[tilespmem:s3], [sflag:$0x2] =	stream.linear.gather [hbm4b:s13+s3], $0x80, $0x38;
	[tilespmem:$0x4080] =	vst v63  }
0x69: {  	_ =	swait.ge [sflag:s4], $0x80  }
0x6a: {  	[sflag:s4] =	ssyncset.done $0x0  }
0x6b: {  	[sflag:s4] =	ssyncadd.s32 $0xFFFFFF80  }
0x6c: {  	[tilespmem:s6], [sflag:$0x1] =	stream.indirect.gather [hbm4b:s2+s6], $0x80, s3, s6, $0xb8;
	[tilespmem:$0x4080] =	vst v63  }
0x6d: {  	_ =	swait.ge [sflag:s7], $0x4000  }
0x6e: {  	[sflag:s7] =	ssyncset.done $0x0  }
0x6f: {  	[sflag:s7] =	ssyncadd.s32 $0xFFFFC000  }
0x70: {  	[hbm4b:s14+s3] =	stream.linear.scatter [tilespmem:s6], [sflag:$0x2], $0x4000, $0x38;
	[tilespmem:$0x4080] =	vst v63  }
0x71: {  	_ =	swait.ge [sflag:s4], $0x4000  }
0x72: {  	[sflag:s4] =	ssyncset.done $0x0  }
0x73: {  	[sflag:s4] =	ssyncadd.s32 $0xFFFFC000  }
0x74: {  	[tilespmem:s3], [sflag:$0x2] =	stream.linear.gather [hbm4b:s15+s3], $0x80, $0x38;
	[tilespmem:$0x4080] =	vst v63  }
0x75: {  	_ =	swait.ge [sflag:s4], $0x80  }
0x76: {  	[sflag:s4] =	ssyncset.done $0x0  }
0x77: {  	[sflag:s4] =	ssyncadd.s32 $0xFFFFFF80  }
0x78: {  	[tilespmem:s6], [sflag:$0x1] =	stream.indirect.gather [hbm4b:s2+s6], $0x80, s3, s6, $0xb8;
	[tilespmem:$0x4080] =	vst v63  }
0x79: {  	_ =	swait.ge [sflag:s7], $0x4000  }
.Ltmp1:
0x7a: {  	[sflag:s7] =	ssyncset.done $0x0;
	(pc) =	sbr.rel @p0 .LBB2_1-.Ltmp1, $4  }
0x7b: {  	[sflag:s7] =	ssyncadd.s32 $0xFFFFC000  }
0x7c: {  	[hbm4b:s16+s3] =	stream.linear.scatter [tilespmem:s6], [sflag:$0x2], $0x4000, $0x38;
	[tilespmem:$0x4080] =	vst v63  }
0x7d: {  	_ =	swait.ge [sflag:s4], $0x4000  }
0x7e: {  	[sflag:s4] =	ssyncset.done $0x0  }
.LBB2_2:
0x7f: {  	[sflag:s4] =	ssyncadd.s32 $0xFFFFC000  }
0x80: {  	_ =	sfence.sel $0x180000  }
0x81: {  	[bflag:$0x0] =	sbarrier.arrive $0xFFFF  }
0x82: {  	p0 =	sne.s32 s0, $0x0;
	_ =	strace $0x90000047  }
0x83: {  	s0 =	sadd.s32 @!p0 $0x100000, s1;
	[bflag:$0x2] =	sbarrier.arrive $0xFFFF  }
0x84: {  	[sflag:s0] =	ssyncadd.tile.s32 @!p0 $0x1;
	_ =	shalt  }
.Lfunc_end2:
_tile_overlayer_lowered:
.L_overlay_start_2:
0x85: {  	(tag) =	ssettag $0x2  }
0x86: {  	s0 =	rddreg [dreg:$0x0];
	s2 =	stileid.u32  }
0x87: {  	s1 =	rddreg [dreg:$0x1];
	p0 =	sne.s32 s2, $0x0  }
0x88: {  	s3 =	rddreg [dreg:$0x2];
	[bflag:$0x3] =	sbarrier.arrive $0xFFFF;
	s2 =	simm.s32 @!p0 $0x1C02  }
0x89: {  	[timem:s3], [sflag:s2] =	dma.local @!p0 [hbm:s0], s1  }
0x8a: {  	s0 =	simm.s32 @!p0 $0x2  }
0x8b: {  	_ =	swait.ge @!p0 [sflag:s0], s1  }
0x8c: {  	s1 =	ssub.s32 @!p0 $0x0, s1;
	[sflag:s0] =	ssyncset.done @!p0 $0x0  }
0x8d: {  	[sflag:s0] =	ssyncadd.s32 @!p0 s1  }
0x8e: {  	[bflag:$0x3] =	sbarrier.arrive $0xFFFF  }
0x8f: {  	_ =	shalt  }

</sc_bundles>
